<compile_context>
chip_gen: v7x
topology: tpu7x:2x2x1
jax: 0.10.2.dev20260603
libtpu: 0.0.44.dev20260713+nightly
codegen_flags: <defaults>
</compile_context>

<pallas_src>
import functools

import jax
import jax.numpy as jnp
from jax import lax
from jax.experimental import pallas as pl
from jax.experimental.pallas import tpu as pltpu
from jax.experimental.pallas import tpu_sc as plsc

N = 10000
D = 128
E = 320000
EPS = 1e-5

NC = 2
NS = 16
CH = 128
KBUF = 2
NCHUNK = 80
IB = 40
EP = NC * NS * CH * NCHUNK
NPAD = 10112
RPI = NPAD // NS

@functools.cache
def _sc_mesh():
  return plsc.VectorSubcoreMesh(
      core_axis_name="c", subcore_axis_name="s", num_cores=NC, num_subcores=NS
  )


def _deg_body(src3, dst3, ones_s_hbm, ones_d_hbm, zeros_hbm, out_hbm, idx_s,
              idx_d, ones_v, dsems, deg_sh):
  c = lax.axis_index("c")
  s = lax.axis_index("s")
  w = c * NS + s
  base = pl.multiple_of(s * RPI, 8)
  pltpu.sync_copy(zeros_hbm, deg_sh.at[pl.ds(base, RPI)])
  pltpu.sync_copy(src3.at[w], idx_s)
  pltpu.sync_copy(dst3.at[w], idx_d)
  pltpu.sync_copy(ones_s_hbm, ones_v)
  plsc.subcore_barrier()

  @pl.loop(0, NCHUNK // 2)
  def _(h):
    j0 = 2 * h
    ds = [
        pltpu.async_copy(ones_v, deg_sh.at[idx_s.at[j0 + b]], dsems[b],
                         add=True) for b in range(2)
    ]
    for b in range(2):
      ds[b].wait()

  pltpu.sync_copy(ones_d_hbm, ones_v)

  @pl.loop(0, NCHUNK // 2)
  def _(h):
    j0 = 2 * h
    ds = [
        pltpu.async_copy(ones_v, deg_sh.at[idx_d.at[j0 + b]], dsems[b],
                         add=True) for b in range(2)
    ]
    for b in range(2):
      ds[b].wait()

  plsc.subcore_barrier()
  sl = pl.ds(base, RPI)
  pltpu.sync_copy(deg_sh.at[sl], out_hbm.at[c, sl])


@functools.cache
def _deg_call():
  return pl.kernel(
      _deg_body,
      out_type=jax.ShapeDtypeStruct((NC, NPAD, D), jnp.float32),
      mesh=_sc_mesh(),
      scratch_types=[
          pltpu.VMEM((NCHUNK, CH), jnp.int32),
          pltpu.VMEM((NCHUNK, CH), jnp.int32),
          pltpu.VMEM((CH, D), jnp.float32),
          [pltpu.SemaphoreType.DMA for _ in range(2)],
          pltpu.VMEM_SHARED((NPAD, D), jnp.float32),
      ],
  )


def _scatter_body(g_hbm, src3, dst3, zeros_hbm, out_hbm, idx_s, idx_d,
                  rows_bufs, sems, agg):
  c = lax.axis_index("c")
  s = lax.axis_index("s")
  w = c * NS + s
  base = pl.multiple_of(s * RPI, 8)
  pltpu.sync_copy(zeros_hbm, agg.at[pl.ds(base, RPI)])
  plsc.subcore_barrier()

  for ph in range(NCHUNK // IB):
    pltpu.sync_copy(src3.at[w, pl.ds(ph * IB, IB)], idx_s)
    pltpu.sync_copy(dst3.at[w, pl.ds(ph * IB, IB)], idx_d)

    @pl.loop(0, IB // KBUF)
    def _(h):
      j0 = h * KBUF
      descs = [
          pltpu.async_copy(g_hbm.at[idx_s.at[j0 + b]], rows_bufs[b], sems[b])
          for b in range(KBUF)
      ]
      for b in range(KBUF):
        descs[b].wait()
        pltpu.sync_copy(rows_bufs[b], agg.at[idx_d.at[j0 + b]], add=True)

  plsc.subcore_barrier()
  sl = pl.ds(base, RPI)
  pltpu.sync_copy(agg.at[sl], out_hbm.at[c, sl])


@functools.cache
def _scatter_call():
  return pl.kernel(
      _scatter_body,
      out_type=jax.ShapeDtypeStruct((NC, NPAD, D), jnp.float32),
      mesh=_sc_mesh(),
      scratch_types=[
          pltpu.VMEM((IB, CH), jnp.int32),
          pltpu.VMEM((IB, CH), jnp.int32),
          [pltpu.VMEM((CH, D), jnp.float32) for _ in range(KBUF)],
          [pltpu.SemaphoreType.DMA for _ in range(KBUF)],
          pltpu.VMEM_SHARED((NPAD, D), jnp.float32),
      ],
  )


def _tc1_body(x_ref, deg_ref, w1_ref, out_ref):
  od = deg_ref[0, :, 0:1] + deg_ref[1, :, 0:1]
  ns = lax.rsqrt(jnp.maximum(od, 1.0))
  h = x_ref[...] * ns
  out_ref[...] = jnp.dot(h, w1_ref[...], preferred_element_type=jnp.float32)


def _tc2_body(tp_ref, deg_ref, b_ref, g_ref, be_ref, a_ref, w2_ref, out_ref):
  t = tp_ref[0] + tp_ref[1]
  idg = deg_ref[0, :, 1:2] + deg_ref[1, :, 1:2]
  nd = lax.rsqrt(jnp.maximum(idg, 1.0))
  y = t * nd + b_ref[...]
  mu = jnp.mean(y, axis=-1, keepdims=True)
  var = jnp.mean((y - mu) ** 2, axis=-1, keepdims=True)
  yn = (y - mu) * lax.rsqrt(var + EPS) * g_ref[...] + be_ref[...]
  h = jnp.where(yn > 0, yn, a_ref[0, 0] * yn)
  od = deg_ref[0, :, 0:1] + deg_ref[1, :, 0:1]
  nsrc = lax.rsqrt(jnp.maximum(od, 1.0))
  out_ref[...] = jnp.dot(h * nsrc, w2_ref[...],
                         preferred_element_type=jnp.float32)


def _tc3_body(tp_ref, deg_ref, b_ref, g_ref, be_ref, a_ref, out_ref):
  t = tp_ref[0, :N] + tp_ref[1, :N]
  idg = deg_ref[0, :, 1:2] + deg_ref[1, :, 1:2]
  nd = lax.rsqrt(jnp.maximum(idg, 1.0))[:N]
  y = t * nd + b_ref[...]
  mu = jnp.mean(y, axis=-1, keepdims=True)
  var = jnp.mean((y - mu) ** 2, axis=-1, keepdims=True)
  yn = (y - mu) * lax.rsqrt(var + EPS) * g_ref[...] + be_ref[...]
  out_ref[...] = jnp.where(yn > 0, yn, a_ref[0, 0] * yn)


_tc1 = pl.pallas_call(
    _tc1_body, out_shape=jax.ShapeDtypeStruct((NPAD, D), jnp.float32))
_tc2 = pl.pallas_call(
    _tc2_body, out_shape=jax.ShapeDtypeStruct((NPAD, D), jnp.float32))
_tc3 = pl.pallas_call(
    _tc3_body, out_shape=jax.ShapeDtypeStruct((N, D), jnp.float32))


def kernel(x, edge_index, W1, b1, g1, be1, a1, W2, b2, g2, be2, a2):
  src = edge_index[0]
  dst = edge_index[1]
  pad = N + (jnp.arange(EP - E, dtype=jnp.int32) % (NPAD - N))
  src3 = jnp.concatenate([src, pad]).reshape(NC * NS, NCHUNK, CH)
  dst3 = jnp.concatenate([dst, pad]).reshape(NC * NS, NCHUNK, CH)
  zerosD = jnp.zeros((RPI, D), jnp.float32)
  lane = jnp.arange(D, dtype=jnp.int32)[None, :]
  ones_s = jnp.broadcast_to((lane == 0).astype(jnp.float32), (CH, D))
  ones_d = jnp.broadcast_to((lane == 1).astype(jnp.float32), (CH, D))

  deg = _deg_call()(src3, dst3, ones_s, ones_d, zerosD)
  xpad = jnp.pad(x, ((0, NPAD - N), (0, 0)))
  ga = _tc1(xpad, deg, W1)
  t1 = _scatter_call()(ga, src3, dst3, zerosD)
  gb = _tc2(t1, deg, b1.reshape(1, D), g1.reshape(1, D), be1.reshape(1, D),
            a1.reshape(1, 1), W2)
  t2 = _scatter_call()(gb, src3, dst3, zerosD)
  return _tc3(t2, deg, b2.reshape(1, D), g2.reshape(1, D), be2.reshape(1, D),
              a2.reshape(1, 1))

# --- scband reference (transcript-rebuilt; emitter-appended) ---
"""Pipeline reference for scband-gcn-40587440947218 (READ-ONLY COPY).

The authoritative reference and input builder live on the scoring server;
editing this copy changes nothing except your own understanding.
"""

import jax, jax.numpy as jnp
import numpy as np

N = 10000
E = 320000
D = 128
EPS = 1e-5


def setup_inputs(seed: int = 0) -> dict:
    key = jax.random.key(seed)
    ks = jax.random.split(key, 8)
    inp = {}
    inp["x"] = jax.random.normal(ks[0], (N, D), dtype=jnp.float32)
    inp["edge_index"] = jax.random.randint(ks[1], (2, E), 0, N, dtype=jnp.int32)
    # GraphConv layer 1 params (glorot-ish init)
    inp["W1"] = jax.random.normal(ks[2], (D, D), dtype=jnp.float32) * (1.0 / np.sqrt(D))
    inp["b1"] = jnp.zeros((D,), dtype=jnp.float32)
    inp["g1"] = jnp.ones((D,), dtype=jnp.float32)
    inp["be1"] = jnp.zeros((D,), dtype=jnp.float32)
    inp["a1"] = jnp.array(0.25, dtype=jnp.float32)
    # GraphConv layer 2 params
    inp["W2"] = jax.random.normal(ks[3], (D, D), dtype=jnp.float32) * (1.0 / np.sqrt(D))
    inp["b2"] = jnp.zeros((D,), dtype=jnp.float32)
    inp["g2"] = jnp.ones((D,), dtype=jnp.float32)
    inp["be2"] = jnp.zeros((D,), dtype=jnp.float32)
    inp["a2"] = jnp.array(0.25, dtype=jnp.float32)
    return inp


def _graph_conv(x, src, dst, W, b):
    # DGL GraphConv, norm='both', allow_zero_in_degree=True
    ones = jnp.ones((E,), dtype=jnp.float32)
    out_deg = jax.ops.segment_sum(ones, src, num_segments=N)
    in_deg = jax.ops.segment_sum(ones, dst, num_segments=N)
    norm_src = jnp.power(jnp.clip(out_deg, 1.0, None), -0.5)
    norm_dst = jnp.power(jnp.clip(in_deg, 1.0, None), -0.5)
    h = x * norm_src[:, None]
    msg = jnp.take(h, src, axis=0)
    agg = jax.ops.segment_sum(msg, dst, num_segments=N)
    agg = agg * norm_dst[:, None]
    return agg @ W + b


def _layer_norm(x, gamma, beta):
    mu = jnp.mean(x, axis=-1, keepdims=True)
    var = jnp.var(x, axis=-1, keepdims=True)
    return (x - mu) / jnp.sqrt(var + EPS) * gamma + beta


def _prelu(x, a):
    return jnp.where(x > 0, x, a * x)


def reference(x, edge_index, W1, b1, g1, be1, a1, W2, b2, g2, be2, a2):
    src = edge_index[0]
    dst = edge_index[1]
    h = _graph_conv(x, src, dst, W1, b1)
    h = _layer_norm(h, g1, be1)
    h = _prelu(h, a1)
    h = _graph_conv(h, src, dst, W2, b2)
    h = _layer_norm(h, g2, be2)
    h = _prelu(h, a2)
    return h

if __name__ == "__main__":
    import jax
    _d = setup_inputs()
    print(jax.jit(kernel)(*tuple(_d.values())))

</pallas_src>

<mosaic_0001>
#map = affine_map<(d0, d1) -> (0, 0)>
#map1 = affine_map<(d0, d1) -> (0, 0, 0)>
module attributes {stable_mosaic.version = 14 : i64} {
  func.func @_scatter_body(%arg0: i32, %arg1: i32, %arg2: memref<10112x128xf32, #tpu.memory_space<hbm>>, %arg3: memref<32x80x128xi32, #tpu.memory_space<hbm>>, %arg4: memref<32x80x128xi32, #tpu.memory_space<hbm>>, %arg5: memref<632x128xf32, #tpu.memory_space<hbm>>, %arg6: memref<2x10112x128xf32, #tpu.memory_space<hbm>>, %arg7: memref<40x128xi32, #tpu.memory_space<vmem>>, %arg8: memref<40x128xi32, #tpu.memory_space<vmem>>, %arg9: memref<128x128xf32, #tpu.memory_space<vmem>>, %arg10: memref<128x128xf32, #tpu.memory_space<vmem>>, %arg11: memref<!tpu.dma_semaphore, #tpu.memory_space<semaphore_mem>>, %arg12: memref<!tpu.dma_semaphore, #tpu.memory_space<semaphore_mem>>, %arg13: memref<10112x128xf32, #tpu.memory_space<vmem_shared>>) attributes {dimension_semantics = [#tpu.dimension_semantics<core_parallel>, #tpu.dimension_semantics<subcore_parallel>], iteration_bounds = array<i64: 2, 16>, scalar_prefetch = 0 : i64, scratch_operands = 7 : i64, tpu.core_type = #tpu.core_type<sc_vector_subcore>, window_params = [{transform_indices = #map}, {transform_indices = #map1}, {transform_indices = #map1}, {transform_indices = #map}, {transform_indices = #map1}]} {
    %mul3A = arith.constant 16 : i32
    %mul3A_0 = arith.muli %arg0, %mul3A : i32
    %add3A = arith.addi %mul3A_0, %arg1 : i32
    %mul3A_1 = arith.constant 632 : i32
    %mul3A_2 = arith.muli %arg1, %mul3A_1 : i32
    %multiple_of3A = tpu.assume_multiple %mul3A_2, 8 : i32
    "tpu.region"() ({
      %run_scoped3A = tpu.sem_alloc : memref<!tpu.dma_semaphore, #tpu.memory_space<semaphore_mem>>
      %dma_start3A = arith.constant 0 : i32
      %dma_start3A_13 = tpu.memref_slice %arg13[%multiple_of3A, %dma_start3A] : memref<10112x128xf32, #tpu.memory_space<vmem_shared>> -> memref<632x128xf32, #tpu.memory_space<vmem_shared>>
      tpu.enqueue_dma source(%arg5 : memref<632x128xf32, #tpu.memory_space<hbm>>) target(%dma_start3A_13 : memref<632x128xf32, #tpu.memory_space<vmem_shared>>) target_semaphore(%run_scoped3A : memref<!tpu.dma_semaphore, #tpu.memory_space<semaphore_mem>>)
      %dma_wait3A = arith.constant 0 : i32
      %dma_wait3A_14 = tpu.memref_slice %arg13[%multiple_of3A, %dma_wait3A] : memref<10112x128xf32, #tpu.memory_space<vmem_shared>> -> memref<632x128xf32, #tpu.memory_space<vmem_shared>>
      tpu.wait_dma2 semaphore(%run_scoped3A : memref<!tpu.dma_semaphore, #tpu.memory_space<semaphore_mem>>) src(%arg5 : memref<632x128xf32, #tpu.memory_space<hbm>>) dst(%dma_wait3A_14 : memref<632x128xf32, #tpu.memory_space<vmem_shared>>)
      tpu.yield
    }) : () -> ()
    %barrier3A = arith.constant 0 : index
    tpu.barrier barrier_id(%barrier3A)
    "tpu.region"() ({
      %run_scoped3A = tpu.sem_alloc : memref<!tpu.dma_semaphore, #tpu.memory_space<semaphore_mem>>
      %dma_start3A = arith.constant 0 : i32
      %dma_start3A_13 = arith.constant 0 : i32
      %dma_start3A_14 = tpu.memref_slice %arg3[%add3A, %dma_start3A, %dma_start3A_13] : memref<32x80x128xi32, #tpu.memory_space<hbm>> -> memref<1x40x128xi32, #tpu.memory_space<hbm>>
      %dma_start3A_15 = tpu.memref_squeeze %dma_start3A_14 : memref<1x40x128xi32, #tpu.memory_space<hbm>> -> memref<40x128xi32, #tpu.memory_space<hbm>>
      %dma_start3A_16 = arith.constant 0 : i32
      %dma_start3A_17 = arith.constant 0 : i32
      %dma_start3A_18 = tpu.memref_slice %arg3[%add3A, %dma_start3A_16, %dma_start3A_17] : memref<32x80x128xi32, #tpu.memory_space<hbm>> -> memref<1x40x128xi32, #tpu.memory_space<hbm>>
      %dma_start3A_19 = tpu.memref_squeeze %dma_start3A_18 : memref<1x40x128xi32, #tpu.memory_space<hbm>> -> memref<40x128xi32, #tpu.memory_space<hbm>>
      tpu.enqueue_dma source(%dma_start3A_19 : memref<40x128xi32, #tpu.memory_space<hbm>>) target(%arg7 : memref<40x128xi32, #tpu.memory_space<vmem>>) target_semaphore(%run_scoped3A : memref<!tpu.dma_semaphore, #tpu.memory_space<semaphore_mem>>)
      %dma_wait3A = arith.constant 0 : i32
      %dma_wait3A_20 = arith.constant 0 : i32
      %dma_wait3A_21 = tpu.memref_slice %arg3[%add3A, %dma_wait3A, %dma_wait3A_20] : memref<32x80x128xi32, #tpu.memory_space<hbm>> -> memref<1x40x128xi32, #tpu.memory_space<hbm>>
      %dma_wait3A_22 = tpu.memref_squeeze %dma_wait3A_21 : memref<1x40x128xi32, #tpu.memory_space<hbm>> -> memref<40x128xi32, #tpu.memory_space<hbm>>
      %dma_wait3A_23 = arith.constant 0 : i32
      %dma_wait3A_24 = arith.constant 0 : i32
      %dma_wait3A_25 = tpu.memref_slice %arg3[%add3A, %dma_wait3A_23, %dma_wait3A_24] : memref<32x80x128xi32, #tpu.memory_space<hbm>> -> memref<1x40x128xi32, #tpu.memory_space<hbm>>
      %dma_wait3A_26 = tpu.memref_squeeze %dma_wait3A_25 : memref<1x40x128xi32, #tpu.memory_space<hbm>> -> memref<40x128xi32, #tpu.memory_space<hbm>>
      tpu.wait_dma2 semaphore(%run_scoped3A : memref<!tpu.dma_semaphore, #tpu.memory_space<semaphore_mem>>) src(%dma_wait3A_26 : memref<40x128xi32, #tpu.memory_space<hbm>>) dst(%arg7 : memref<40x128xi32, #tpu.memory_space<vmem>>)
      tpu.yield
    }) : () -> ()
    "tpu.region"() ({
      %run_scoped3A = tpu.sem_alloc : memref<!tpu.dma_semaphore, #tpu.memory_space<semaphore_mem>>
      %dma_start3A = arith.constant 0 : i32
      %dma_start3A_13 = arith.constant 0 : i32
      %dma_start3A_14 = tpu.memref_slice %arg4[%add3A, %dma_start3A, %dma_start3A_13] : memref<32x80x128xi32, #tpu.memory_space<hbm>> -> memref<1x40x128xi32, #tpu.memory_space<hbm>>
      %dma_start3A_15 = tpu.memref_squeeze %dma_start3A_14 : memref<1x40x128xi32, #tpu.memory_space<hbm>> -> memref<40x128xi32, #tpu.memory_space<hbm>>
      %dma_start3A_16 = arith.constant 0 : i32
      %dma_start3A_17 = arith.constant 0 : i32
      %dma_start3A_18 = tpu.memref_slice %arg4[%add3A, %dma_start3A_16, %dma_start3A_17] : memref<32x80x128xi32, #tpu.memory_space<hbm>> -> memref<1x40x128xi32, #tpu.memory_space<hbm>>
      %dma_start3A_19 = tpu.memref_squeeze %dma_start3A_18 : memref<1x40x128xi32, #tpu.memory_space<hbm>> -> memref<40x128xi32, #tpu.memory_space<hbm>>
      tpu.enqueue_dma source(%dma_start3A_19 : memref<40x128xi32, #tpu.memory_space<hbm>>) target(%arg8 : memref<40x128xi32, #tpu.memory_space<vmem>>) target_semaphore(%run_scoped3A : memref<!tpu.dma_semaphore, #tpu.memory_space<semaphore_mem>>)
      %dma_wait3A = arith.constant 0 : i32
      %dma_wait3A_20 = arith.constant 0 : i32
      %dma_wait3A_21 = tpu.memref_slice %arg4[%add3A, %dma_wait3A, %dma_wait3A_20] : memref<32x80x128xi32, #tpu.memory_space<hbm>> -> memref<1x40x128xi32, #tpu.memory_space<hbm>>
      %dma_wait3A_22 = tpu.memref_squeeze %dma_wait3A_21 : memref<1x40x128xi32, #tpu.memory_space<hbm>> -> memref<40x128xi32, #tpu.memory_space<hbm>>
      %dma_wait3A_23 = arith.constant 0 : i32
      %dma_wait3A_24 = arith.constant 0 : i32
      %dma_wait3A_25 = tpu.memref_slice %arg4[%add3A, %dma_wait3A_23, %dma_wait3A_24] : memref<32x80x128xi32, #tpu.memory_space<hbm>> -> memref<1x40x128xi32, #tpu.memory_space<hbm>>
      %dma_wait3A_26 = tpu.memref_squeeze %dma_wait3A_25 : memref<1x40x128xi32, #tpu.memory_space<hbm>> -> memref<40x128xi32, #tpu.memory_space<hbm>>
      tpu.wait_dma2 semaphore(%run_scoped3A : memref<!tpu.dma_semaphore, #tpu.memory_space<semaphore_mem>>) src(%dma_wait3A_26 : memref<40x128xi32, #tpu.memory_space<hbm>>) dst(%arg8 : memref<40x128xi32, #tpu.memory_space<vmem>>)
      tpu.yield
    }) : () -> ()
    %scan3A = arith.constant 0 : i32
    %scan3A_3 = arith.constant 20 : i32
    %scan3A_4 = arith.addi %scan3A, %scan3A_3 : i32
    %scan3A_5 = arith.constant 1 : i32
    scf.for %scan3A_13 = %scan3A to %scan3A_4 step %scan3A_5  : i32 {
      %mul3A_14 = arith.constant 1 : i32
      %mul3A_15 = arith.muli %scan3A_13, %mul3A_14 : i32
      %add3A_16 = arith.constant 0 : i32
      %add3A_17 = arith.addi %add3A_16, %mul3A_15 : i32
      %mul3A_18 = arith.constant 2 : i32
      %mul3A_19 = arith.muli %add3A_17, %mul3A_18 : i32
      %add3A_20 = arith.constant 0 : i32
      %add3A_21 = arith.addi %mul3A_19, %add3A_20 : i32
      %dma_start3A = arith.constant 0 : i32
      %dma_start3A_22 = tpu.memref_slice %arg7[%add3A_21, %dma_start3A] : memref<40x128xi32, #tpu.memory_space<vmem>> -> memref<1x128xi32, #tpu.memory_space<vmem>>
      %dma_start3A_23 = tpu.memref_squeeze %dma_start3A_22 : memref<1x128xi32, #tpu.memory_space<vmem>> -> memref<128xi32, #tpu.memory_space<vmem>>
      %dma_start3A_24 = arith.constant 0 : i32
      %dma_start3A_25 = arith.constant 0 : i32
      %dma_start3A_26 = tpu.memref_slice %arg2[%dma_start3A_24, %dma_start3A_25] : memref<10112x128xf32, #tpu.memory_space<hbm>> -> memref<10112x128xf32, #tpu.memory_space<hbm>>
      tpu.enqueue_indirect_dma source(%dma_start3A_26 : memref<10112x128xf32, #tpu.memory_space<hbm>>) target(%arg9 : memref<128x128xf32, #tpu.memory_space<vmem>>) offsets(%dma_start3A_23 : memref<128xi32, #tpu.memory_space<vmem>>) semaphore(%arg11 : memref<!tpu.dma_semaphore, #tpu.memory_space<semaphore_mem>>)
      %add3A_27 = arith.constant 1 : i32
      %add3A_28 = arith.addi %mul3A_19, %add3A_27 : i32
      %dma_start3A_29 = arith.constant 0 : i32
      %dma_start3A_30 = tpu.memref_slice %arg7[%add3A_28, %dma_start3A_29] : memref<40x128xi32, #tpu.memory_space<vmem>> -> memref<1x128xi32, #tpu.memory_space<vmem>>
      %dma_start3A_31 = tpu.memref_squeeze %dma_start3A_30 : memref<1x128xi32, #tpu.memory_space<vmem>> -> memref<128xi32, #tpu.memory_space<vmem>>
      %dma_start3A_32 = arith.constant 0 : i32
      %dma_start3A_33 = arith.constant 0 : i32
      %dma_start3A_34 = tpu.memref_slice %arg2[%dma_start3A_32, %dma_start3A_33] : memref<10112x128xf32, #tpu.memory_space<hbm>> -> memref<10112x128xf32, #tpu.memory_space<hbm>>
      tpu.enqueue_indirect_dma source(%dma_start3A_34 : memref<10112x128xf32, #tpu.memory_space<hbm>>) target(%arg10 : memref<128x128xf32, #tpu.memory_space<vmem>>) offsets(%dma_start3A_31 : memref<128xi32, #tpu.memory_space<vmem>>) semaphore(%arg12 : memref<!tpu.dma_semaphore, #tpu.memory_space<semaphore_mem>>)
      %dma_wait3A = arith.constant 0 : i32
      %dma_wait3A_35 = tpu.memref_slice %arg7[%add3A_21, %dma_wait3A] : memref<40x128xi32, #tpu.memory_space<vmem>> -> memref<1x128xi32, #tpu.memory_space<vmem>>
      %dma_wait3A_36 = tpu.memref_squeeze %dma_wait3A_35 : memref<1x128xi32, #tpu.memory_space<vmem>> -> memref<128xi32, #tpu.memory_space<vmem>>
      %dma_wait3A_37 = arith.constant 0 : i32
      %dma_wait3A_38 = arith.constant 0 : i32
      %dma_wait3A_39 = tpu.memref_slice %arg2[%dma_wait3A_37, %dma_wait3A_38] : memref<10112x128xf32, #tpu.memory_space<hbm>> -> memref<10112x128xf32, #tpu.memory_space<hbm>>
      tpu.wait_indirect_dma semaphore(%arg11 : memref<!tpu.dma_semaphore, #tpu.memory_space<semaphore_mem>>) src(%dma_wait3A_39 : memref<10112x128xf32, #tpu.memory_space<hbm>>) dst(%arg9 : memref<128x128xf32, #tpu.memory_space<vmem>>)
      %add3A_40 = arith.constant 0 : i32
      %add3A_41 = arith.addi %mul3A_19, %add3A_40 : i32
      "tpu.region"() ({
        %run_scoped3A = tpu.sem_alloc : memref<!tpu.dma_semaphore, #tpu.memory_space<semaphore_mem>>
        %dma_start3A_50 = arith.constant 0 : i32
        %dma_start3A_51 = tpu.memref_slice %arg8[%add3A_41, %dma_start3A_50] : memref<40x128xi32, #tpu.memory_space<vmem>> -> memref<1x128xi32, #tpu.memory_space<vmem>>
        %dma_start3A_52 = tpu.memref_squeeze %dma_start3A_51 : memref<1x128xi32, #tpu.memory_space<vmem>> -> memref<128xi32, #tpu.memory_space<vmem>>
        %dma_start3A_53 = arith.constant 0 : i32
        %dma_start3A_54 = arith.constant 0 : i32
        %dma_start3A_55 = tpu.memref_slice %arg13[%dma_start3A_53, %dma_start3A_54] : memref<10112x128xf32, #tpu.memory_space<vmem_shared>> -> memref<10112x128xf32, #tpu.memory_space<vmem_shared>>
        tpu.enqueue_indirect_dma source(%arg9 : memref<128x128xf32, #tpu.memory_space<vmem>>) target(%dma_start3A_55 : memref<10112x128xf32, #tpu.memory_space<vmem_shared>>) offsets(%dma_start3A_52 : memref<128xi32, #tpu.memory_space<vmem>>) semaphore(%run_scoped3A : memref<!tpu.dma_semaphore, #tpu.memory_space<semaphore_mem>>) {add = true}
        %dma_wait3A_56 = arith.constant 0 : i32
        %dma_wait3A_57 = tpu.memref_slice %arg8[%add3A_41, %dma_wait3A_56] : memref<40x128xi32, #tpu.memory_space<vmem>> -> memref<1x128xi32, #tpu.memory_space<vmem>>
        %dma_wait3A_58 = tpu.memref_squeeze %dma_wait3A_57 : memref<1x128xi32, #tpu.memory_space<vmem>> -> memref<128xi32, #tpu.memory_space<vmem>>
        %dma_wait3A_59 = arith.constant 0 : i32
        %dma_wait3A_60 = arith.constant 0 : i32
        %dma_wait3A_61 = tpu.memref_slice %arg13[%dma_wait3A_59, %dma_wait3A_60] : memref<10112x128xf32, #tpu.memory_space<vmem_shared>> -> memref<10112x128xf32, #tpu.memory_space<vmem_shared>>
        tpu.wait_indirect_dma semaphore(%run_scoped3A : memref<!tpu.dma_semaphore, #tpu.memory_space<semaphore_mem>>) src(%arg9 : memref<128x128xf32, #tpu.memory_space<vmem>>) dst(%dma_wait3A_61 : memref<10112x128xf32, #tpu.memory_space<vmem_shared>>)
        tpu.yield
      }) : () -> ()
      %dma_wait3A_42 = arith.constant 0 : i32
      %dma_wait3A_43 = tpu.memref_slice %arg7[%add3A_28, %dma_wait3A_42] : memref<40x128xi32, #tpu.memory_space<vmem>> -> memref<1x128xi32, #tpu.memory_space<vmem>>
      %dma_wait3A_44 = tpu.memref_squeeze %dma_wait3A_43 : memref<1x128xi32, #tpu.memory_space<vmem>> -> memref<128xi32, #tpu.memory_space<vmem>>
      %dma_wait3A_45 = arith.constant 0 : i32
      %dma_wait3A_46 = arith.constant 0 : i32
      %dma_wait3A_47 = tpu.memref_slice %arg2[%dma_wait3A_45, %dma_wait3A_46] : memref<10112x128xf32, #tpu.memory_space<hbm>> -> memref<10112x128xf32, #tpu.memory_space<hbm>>
      tpu.wait_indirect_dma semaphore(%arg12 : memref<!tpu.dma_semaphore, #tpu.memory_space<semaphore_mem>>) src(%dma_wait3A_47 : memref<10112x128xf32, #tpu.memory_space<hbm>>) dst(%arg10 : memref<128x128xf32, #tpu.memory_space<vmem>>)
      %add3A_48 = arith.constant 1 : i32
      %add3A_49 = arith.addi %mul3A_19, %add3A_48 : i32
      "tpu.region"() ({
        %run_scoped3A = tpu.sem_alloc : memref<!tpu.dma_semaphore, #tpu.memory_space<semaphore_mem>>
        %dma_start3A_50 = arith.constant 0 : i32
        %dma_start3A_51 = tpu.memref_slice %arg8[%add3A_49, %dma_start3A_50] : memref<40x128xi32, #tpu.memory_space<vmem>> -> memref<1x128xi32, #tpu.memory_space<vmem>>
        %dma_start3A_52 = tpu.memref_squeeze %dma_start3A_51 : memref<1x128xi32, #tpu.memory_space<vmem>> -> memref<128xi32, #tpu.memory_space<vmem>>
        %dma_start3A_53 = arith.constant 0 : i32
        %dma_start3A_54 = arith.constant 0 : i32
        %dma_start3A_55 = tpu.memref_slice %arg13[%dma_start3A_53, %dma_start3A_54] : memref<10112x128xf32, #tpu.memory_space<vmem_shared>> -> memref<10112x128xf32, #tpu.memory_space<vmem_shared>>
        tpu.enqueue_indirect_dma source(%arg10 : memref<128x128xf32, #tpu.memory_space<vmem>>) target(%dma_start3A_55 : memref<10112x128xf32, #tpu.memory_space<vmem_shared>>) offsets(%dma_start3A_52 : memref<128xi32, #tpu.memory_space<vmem>>) semaphore(%run_scoped3A : memref<!tpu.dma_semaphore, #tpu.memory_space<semaphore_mem>>) {add = true}
        %dma_wait3A_56 = arith.constant 0 : i32
        %dma_wait3A_57 = tpu.memref_slice %arg8[%add3A_49, %dma_wait3A_56] : memref<40x128xi32, #tpu.memory_space<vmem>> -> memref<1x128xi32, #tpu.memory_space<vmem>>
        %dma_wait3A_58 = tpu.memref_squeeze %dma_wait3A_57 : memref<1x128xi32, #tpu.memory_space<vmem>> -> memref<128xi32, #tpu.memory_space<vmem>>
        %dma_wait3A_59 = arith.constant 0 : i32
        %dma_wait3A_60 = arith.constant 0 : i32
        %dma_wait3A_61 = tpu.memref_slice %arg13[%dma_wait3A_59, %dma_wait3A_60] : memref<10112x128xf32, #tpu.memory_space<vmem_shared>> -> memref<10112x128xf32, #tpu.memory_space<vmem_shared>>
        tpu.wait_indirect_dma semaphore(%run_scoped3A : memref<!tpu.dma_semaphore, #tpu.memory_space<semaphore_mem>>) src(%arg10 : memref<128x128xf32, #tpu.memory_space<vmem>>) dst(%dma_wait3A_61 : memref<10112x128xf32, #tpu.memory_space<vmem_shared>>)
        tpu.yield
      }) : () -> ()
    }
    %scan3A_6 = arith.constant 20 : i32
    "tpu.region"() ({
      %run_scoped3A = tpu.sem_alloc : memref<!tpu.dma_semaphore, #tpu.memory_space<semaphore_mem>>
      %dma_start3A = arith.constant 40 : i32
      %dma_start3A_13 = arith.constant 0 : i32
      %dma_start3A_14 = tpu.memref_slice %arg3[%add3A, %dma_start3A, %dma_start3A_13] : memref<32x80x128xi32, #tpu.memory_space<hbm>> -> memref<1x40x128xi32, #tpu.memory_space<hbm>>
      %dma_start3A_15 = tpu.memref_squeeze %dma_start3A_14 : memref<1x40x128xi32, #tpu.memory_space<hbm>> -> memref<40x128xi32, #tpu.memory_space<hbm>>
      %dma_start3A_16 = arith.constant 40 : i32
      %dma_start3A_17 = arith.constant 0 : i32
      %dma_start3A_18 = tpu.memref_slice %arg3[%add3A, %dma_start3A_16, %dma_start3A_17] : memref<32x80x128xi32, #tpu.memory_space<hbm>> -> memref<1x40x128xi32, #tpu.memory_space<hbm>>
      %dma_start3A_19 = tpu.memref_squeeze %dma_start3A_18 : memref<1x40x128xi32, #tpu.memory_space<hbm>> -> memref<40x128xi32, #tpu.memory_space<hbm>>
      tpu.enqueue_dma source(%dma_start3A_19 : memref<40x128xi32, #tpu.memory_space<hbm>>) target(%arg7 : memref<40x128xi32, #tpu.memory_space<vmem>>) target_semaphore(%run_scoped3A : memref<!tpu.dma_semaphore, #tpu.memory_space<semaphore_mem>>)
      %dma_wait3A = arith.constant 40 : i32
      %dma_wait3A_20 = arith.constant 0 : i32
      %dma_wait3A_21 = tpu.memref_slice %arg3[%add3A, %dma_wait3A, %dma_wait3A_20] : memref<32x80x128xi32, #tpu.memory_space<hbm>> -> memref<1x40x128xi32, #tpu.memory_space<hbm>>
      %dma_wait3A_22 = tpu.memref_squeeze %dma_wait3A_21 : memref<1x40x128xi32, #tpu.memory_space<hbm>> -> memref<40x128xi32, #tpu.memory_space<hbm>>
      %dma_wait3A_23 = arith.constant 40 : i32
      %dma_wait3A_24 = arith.constant 0 : i32
      %dma_wait3A_25 = tpu.memref_slice %arg3[%add3A, %dma_wait3A_23, %dma_wait3A_24] : memref<32x80x128xi32, #tpu.memory_space<hbm>> -> memref<1x40x128xi32, #tpu.memory_space<hbm>>
      %dma_wait3A_26 = tpu.memref_squeeze %dma_wait3A_25 : memref<1x40x128xi32, #tpu.memory_space<hbm>> -> memref<40x128xi32, #tpu.memory_space<hbm>>
      tpu.wait_dma2 semaphore(%run_scoped3A : memref<!tpu.dma_semaphore, #tpu.memory_space<semaphore_mem>>) src(%dma_wait3A_26 : memref<40x128xi32, #tpu.memory_space<hbm>>) dst(%arg7 : memref<40x128xi32, #tpu.memory_space<vmem>>)
      tpu.yield
    }) : () -> ()
    "tpu.region"() ({
      %run_scoped3A = tpu.sem_alloc : memref<!tpu.dma_semaphore, #tpu.memory_space<semaphore_mem>>
      %dma_start3A = arith.constant 40 : i32
      %dma_start3A_13 = arith.constant 0 : i32
      %dma_start3A_14 = tpu.memref_slice %arg4[%add3A, %dma_start3A, %dma_start3A_13] : memref<32x80x128xi32, #tpu.memory_space<hbm>> -> memref<1x40x128xi32, #tpu.memory_space<hbm>>
      %dma_start3A_15 = tpu.memref_squeeze %dma_start3A_14 : memref<1x40x128xi32, #tpu.memory_space<hbm>> -> memref<40x128xi32, #tpu.memory_space<hbm>>
      %dma_start3A_16 = arith.constant 40 : i32
      %dma_start3A_17 = arith.constant 0 : i32
      %dma_start3A_18 = tpu.memref_slice %arg4[%add3A, %dma_start3A_16, %dma_start3A_17] : memref<32x80x128xi32, #tpu.memory_space<hbm>> -> memref<1x40x128xi32, #tpu.memory_space<hbm>>
      %dma_start3A_19 = tpu.memref_squeeze %dma_start3A_18 : memref<1x40x128xi32, #tpu.memory_space<hbm>> -> memref<40x128xi32, #tpu.memory_space<hbm>>
      tpu.enqueue_dma source(%dma_start3A_19 : memref<40x128xi32, #tpu.memory_space<hbm>>) target(%arg8 : memref<40x128xi32, #tpu.memory_space<vmem>>) target_semaphore(%run_scoped3A : memref<!tpu.dma_semaphore, #tpu.memory_space<semaphore_mem>>)
      %dma_wait3A = arith.constant 40 : i32
      %dma_wait3A_20 = arith.constant 0 : i32
      %dma_wait3A_21 = tpu.memref_slice %arg4[%add3A, %dma_wait3A, %dma_wait3A_20] : memref<32x80x128xi32, #tpu.memory_space<hbm>> -> memref<1x40x128xi32, #tpu.memory_space<hbm>>
      %dma_wait3A_22 = tpu.memref_squeeze %dma_wait3A_21 : memref<1x40x128xi32, #tpu.memory_space<hbm>> -> memref<40x128xi32, #tpu.memory_space<hbm>>
      %dma_wait3A_23 = arith.constant 40 : i32
      %dma_wait3A_24 = arith.constant 0 : i32
      %dma_wait3A_25 = tpu.memref_slice %arg4[%add3A, %dma_wait3A_23, %dma_wait3A_24] : memref<32x80x128xi32, #tpu.memory_space<hbm>> -> memref<1x40x128xi32, #tpu.memory_space<hbm>>
      %dma_wait3A_26 = tpu.memref_squeeze %dma_wait3A_25 : memref<1x40x128xi32, #tpu.memory_space<hbm>> -> memref<40x128xi32, #tpu.memory_space<hbm>>
      tpu.wait_dma2 semaphore(%run_scoped3A : memref<!tpu.dma_semaphore, #tpu.memory_space<semaphore_mem>>) src(%dma_wait3A_26 : memref<40x128xi32, #tpu.memory_space<hbm>>) dst(%arg8 : memref<40x128xi32, #tpu.memory_space<vmem>>)
      tpu.yield
    }) : () -> ()
    %scan3A_7 = arith.constant 0 : i32
    %scan3A_8 = arith.constant 20 : i32
    %scan3A_9 = arith.addi %scan3A_7, %scan3A_8 : i32
    %scan3A_10 = arith.constant 1 : i32
    scf.for %scan3A_13 = %scan3A_7 to %scan3A_9 step %scan3A_10  : i32 {
      %mul3A_14 = arith.constant 1 : i32
      %mul3A_15 = arith.muli %scan3A_13, %mul3A_14 : i32
      %add3A_16 = arith.constant 0 : i32
      %add3A_17 = arith.addi %add3A_16, %mul3A_15 : i32
      %mul3A_18 = arith.constant 2 : i32
      %mul3A_19 = arith.muli %add3A_17, %mul3A_18 : i32
      %add3A_20 = arith.constant 0 : i32
      %add3A_21 = arith.addi %mul3A_19, %add3A_20 : i32
      %dma_start3A = arith.constant 0 : i32
      %dma_start3A_22 = tpu.memref_slice %arg7[%add3A_21, %dma_start3A] : memref<40x128xi32, #tpu.memory_space<vmem>> -> memref<1x128xi32, #tpu.memory_space<vmem>>
      %dma_start3A_23 = tpu.memref_squeeze %dma_start3A_22 : memref<1x128xi32, #tpu.memory_space<vmem>> -> memref<128xi32, #tpu.memory_space<vmem>>
      %dma_start3A_24 = arith.constant 0 : i32
      %dma_start3A_25 = arith.constant 0 : i32
      %dma_start3A_26 = tpu.memref_slice %arg2[%dma_start3A_24, %dma_start3A_25] : memref<10112x128xf32, #tpu.memory_space<hbm>> -> memref<10112x128xf32, #tpu.memory_space<hbm>>
      tpu.enqueue_indirect_dma source(%dma_start3A_26 : memref<10112x128xf32, #tpu.memory_space<hbm>>) target(%arg9 : memref<128x128xf32, #tpu.memory_space<vmem>>) offsets(%dma_start3A_23 : memref<128xi32, #tpu.memory_space<vmem>>) semaphore(%arg11 : memref<!tpu.dma_semaphore, #tpu.memory_space<semaphore_mem>>)
      %add3A_27 = arith.constant 1 : i32
      %add3A_28 = arith.addi %mul3A_19, %add3A_27 : i32
      %dma_start3A_29 = arith.constant 0 : i32
      %dma_start3A_30 = tpu.memref_slice %arg7[%add3A_28, %dma_start3A_29] : memref<40x128xi32, #tpu.memory_space<vmem>> -> memref<1x128xi32, #tpu.memory_space<vmem>>
      %dma_start3A_31 = tpu.memref_squeeze %dma_start3A_30 : memref<1x128xi32, #tpu.memory_space<vmem>> -> memref<128xi32, #tpu.memory_space<vmem>>
      %dma_start3A_32 = arith.constant 0 : i32
      %dma_start3A_33 = arith.constant 0 : i32
      %dma_start3A_34 = tpu.memref_slice %arg2[%dma_start3A_32, %dma_start3A_33] : memref<10112x128xf32, #tpu.memory_space<hbm>> -> memref<10112x128xf32, #tpu.memory_space<hbm>>
      tpu.enqueue_indirect_dma source(%dma_start3A_34 : memref<10112x128xf32, #tpu.memory_space<hbm>>) target(%arg10 : memref<128x128xf32, #tpu.memory_space<vmem>>) offsets(%dma_start3A_31 : memref<128xi32, #tpu.memory_space<vmem>>) semaphore(%arg12 : memref<!tpu.dma_semaphore, #tpu.memory_space<semaphore_mem>>)
      %dma_wait3A = arith.constant 0 : i32
      %dma_wait3A_35 = tpu.memref_slice %arg7[%add3A_21, %dma_wait3A] : memref<40x128xi32, #tpu.memory_space<vmem>> -> memref<1x128xi32, #tpu.memory_space<vmem>>
      %dma_wait3A_36 = tpu.memref_squeeze %dma_wait3A_35 : memref<1x128xi32, #tpu.memory_space<vmem>> -> memref<128xi32, #tpu.memory_space<vmem>>
      %dma_wait3A_37 = arith.constant 0 : i32
      %dma_wait3A_38 = arith.constant 0 : i32
      %dma_wait3A_39 = tpu.memref_slice %arg2[%dma_wait3A_37, %dma_wait3A_38] : memref<10112x128xf32, #tpu.memory_space<hbm>> -> memref<10112x128xf32, #tpu.memory_space<hbm>>
      tpu.wait_indirect_dma semaphore(%arg11 : memref<!tpu.dma_semaphore, #tpu.memory_space<semaphore_mem>>) src(%dma_wait3A_39 : memref<10112x128xf32, #tpu.memory_space<hbm>>) dst(%arg9 : memref<128x128xf32, #tpu.memory_space<vmem>>)
      %add3A_40 = arith.constant 0 : i32
      %add3A_41 = arith.addi %mul3A_19, %add3A_40 : i32
      "tpu.region"() ({
        %run_scoped3A = tpu.sem_alloc : memref<!tpu.dma_semaphore, #tpu.memory_space<semaphore_mem>>
        %dma_start3A_50 = arith.constant 0 : i32
        %dma_start3A_51 = tpu.memref_slice %arg8[%add3A_41, %dma_start3A_50] : memref<40x128xi32, #tpu.memory_space<vmem>> -> memref<1x128xi32, #tpu.memory_space<vmem>>
        %dma_start3A_52 = tpu.memref_squeeze %dma_start3A_51 : memref<1x128xi32, #tpu.memory_space<vmem>> -> memref<128xi32, #tpu.memory_space<vmem>>
        %dma_start3A_53 = arith.constant 0 : i32
        %dma_start3A_54 = arith.constant 0 : i32
        %dma_start3A_55 = tpu.memref_slice %arg13[%dma_start3A_53, %dma_start3A_54] : memref<10112x128xf32, #tpu.memory_space<vmem_shared>> -> memref<10112x128xf32, #tpu.memory_space<vmem_shared>>
        tpu.enqueue_indirect_dma source(%arg9 : memref<128x128xf32, #tpu.memory_space<vmem>>) target(%dma_start3A_55 : memref<10112x128xf32, #tpu.memory_space<vmem_shared>>) offsets(%dma_start3A_52 : memref<128xi32, #tpu.memory_space<vmem>>) semaphore(%run_scoped3A : memref<!tpu.dma_semaphore, #tpu.memory_space<semaphore_mem>>) {add = true}
        %dma_wait3A_56 = arith.constant 0 : i32
        %dma_wait3A_57 = tpu.memref_slice %arg8[%add3A_41, %dma_wait3A_56] : memref<40x128xi32, #tpu.memory_space<vmem>> -> memref<1x128xi32, #tpu.memory_space<vmem>>
        %dma_wait3A_58 = tpu.memref_squeeze %dma_wait3A_57 : memref<1x128xi32, #tpu.memory_space<vmem>> -> memref<128xi32, #tpu.memory_space<vmem>>
        %dma_wait3A_59 = arith.constant 0 : i32
        %dma_wait3A_60 = arith.constant 0 : i32
        %dma_wait3A_61 = tpu.memref_slice %arg13[%dma_wait3A_59, %dma_wait3A_60] : memref<10112x128xf32, #tpu.memory_space<vmem_shared>> -> memref<10112x128xf32, #tpu.memory_space<vmem_shared>>
        tpu.wait_indirect_dma semaphore(%run_scoped3A : memref<!tpu.dma_semaphore, #tpu.memory_space<semaphore_mem>>) src(%arg9 : memref<128x128xf32, #tpu.memory_space<vmem>>) dst(%dma_wait3A_61 : memref<10112x128xf32, #tpu.memory_space<vmem_shared>>)
        tpu.yield
      }) : () -> ()
      %dma_wait3A_42 = arith.constant 0 : i32
      %dma_wait3A_43 = tpu.memref_slice %arg7[%add3A_28, %dma_wait3A_42] : memref<40x128xi32, #tpu.memory_space<vmem>> -> memref<1x128xi32, #tpu.memory_space<vmem>>
      %dma_wait3A_44 = tpu.memref_squeeze %dma_wait3A_43 : memref<1x128xi32, #tpu.memory_space<vmem>> -> memref<128xi32, #tpu.memory_space<vmem>>
      %dma_wait3A_45 = arith.constant 0 : i32
      %dma_wait3A_46 = arith.constant 0 : i32
      %dma_wait3A_47 = tpu.memref_slice %arg2[%dma_wait3A_45, %dma_wait3A_46] : memref<10112x128xf32, #tpu.memory_space<hbm>> -> memref<10112x128xf32, #tpu.memory_space<hbm>>
      tpu.wait_indirect_dma semaphore(%arg12 : memref<!tpu.dma_semaphore, #tpu.memory_space<semaphore_mem>>) src(%dma_wait3A_47 : memref<10112x128xf32, #tpu.memory_space<hbm>>) dst(%arg10 : memref<128x128xf32, #tpu.memory_space<vmem>>)
      %add3A_48 = arith.constant 1 : i32
      %add3A_49 = arith.addi %mul3A_19, %add3A_48 : i32
      "tpu.region"() ({
        %run_scoped3A = tpu.sem_alloc : memref<!tpu.dma_semaphore, #tpu.memory_space<semaphore_mem>>
        %dma_start3A_50 = arith.constant 0 : i32
        %dma_start3A_51 = tpu.memref_slice %arg8[%add3A_49, %dma_start3A_50] : memref<40x128xi32, #tpu.memory_space<vmem>> -> memref<1x128xi32, #tpu.memory_space<vmem>>
        %dma_start3A_52 = tpu.memref_squeeze %dma_start3A_51 : memref<1x128xi32, #tpu.memory_space<vmem>> -> memref<128xi32, #tpu.memory_space<vmem>>
        %dma_start3A_53 = arith.constant 0 : i32
        %dma_start3A_54 = arith.constant 0 : i32
        %dma_start3A_55 = tpu.memref_slice %arg13[%dma_start3A_53, %dma_start3A_54] : memref<10112x128xf32, #tpu.memory_space<vmem_shared>> -> memref<10112x128xf32, #tpu.memory_space<vmem_shared>>
        tpu.enqueue_indirect_dma source(%arg10 : memref<128x128xf32, #tpu.memory_space<vmem>>) target(%dma_start3A_55 : memref<10112x128xf32, #tpu.memory_space<vmem_shared>>) offsets(%dma_start3A_52 : memref<128xi32, #tpu.memory_space<vmem>>) semaphore(%run_scoped3A : memref<!tpu.dma_semaphore, #tpu.memory_space<semaphore_mem>>) {add = true}
        %dma_wait3A_56 = arith.constant 0 : i32
        %dma_wait3A_57 = tpu.memref_slice %arg8[%add3A_49, %dma_wait3A_56] : memref<40x128xi32, #tpu.memory_space<vmem>> -> memref<1x128xi32, #tpu.memory_space<vmem>>
        %dma_wait3A_58 = tpu.memref_squeeze %dma_wait3A_57 : memref<1x128xi32, #tpu.memory_space<vmem>> -> memref<128xi32, #tpu.memory_space<vmem>>
        %dma_wait3A_59 = arith.constant 0 : i32
        %dma_wait3A_60 = arith.constant 0 : i32
        %dma_wait3A_61 = tpu.memref_slice %arg13[%dma_wait3A_59, %dma_wait3A_60] : memref<10112x128xf32, #tpu.memory_space<vmem_shared>> -> memref<10112x128xf32, #tpu.memory_space<vmem_shared>>
        tpu.wait_indirect_dma semaphore(%run_scoped3A : memref<!tpu.dma_semaphore, #tpu.memory_space<semaphore_mem>>) src(%arg10 : memref<128x128xf32, #tpu.memory_space<vmem>>) dst(%dma_wait3A_61 : memref<10112x128xf32, #tpu.memory_space<vmem_shared>>)
        tpu.yield
      }) : () -> ()
    }
    %scan3A_11 = arith.constant 20 : i32
    %barrier3A_12 = arith.constant 0 : index
    tpu.barrier barrier_id(%barrier3A_12)
    "tpu.region"() ({
      %run_scoped3A = tpu.sem_alloc : memref<!tpu.dma_semaphore, #tpu.memory_space<semaphore_mem>>
      %dma_start3A = arith.constant 0 : i32
      %dma_start3A_13 = tpu.memref_slice %arg6[%arg0, %multiple_of3A, %dma_start3A] : memref<2x10112x128xf32, #tpu.memory_space<hbm>> -> memref<1x632x128xf32, #tpu.memory_space<hbm>>
      %dma_start3A_14 = tpu.memref_squeeze %dma_start3A_13 : memref<1x632x128xf32, #tpu.memory_space<hbm>> -> memref<632x128xf32, #tpu.memory_space<hbm>>
      %dma_start3A_15 = arith.constant 0 : i32
      %dma_start3A_16 = tpu.memref_slice %arg13[%multiple_of3A, %dma_start3A_15] : memref<10112x128xf32, #tpu.memory_space<vmem_shared>> -> memref<632x128xf32, #tpu.memory_space<vmem_shared>>
      tpu.enqueue_dma source(%dma_start3A_16 : memref<632x128xf32, #tpu.memory_space<vmem_shared>>) target(%dma_start3A_14 : memref<632x128xf32, #tpu.memory_space<hbm>>) target_semaphore(%run_scoped3A : memref<!tpu.dma_semaphore, #tpu.memory_space<semaphore_mem>>)
      %dma_wait3A = arith.constant 0 : i32
      %dma_wait3A_17 = tpu.memref_slice %arg6[%arg0, %multiple_of3A, %dma_wait3A] : memref<2x10112x128xf32, #tpu.memory_space<hbm>> -> memref<1x632x128xf32, #tpu.memory_space<hbm>>
      %dma_wait3A_18 = tpu.memref_squeeze %dma_wait3A_17 : memref<1x632x128xf32, #tpu.memory_space<hbm>> -> memref<632x128xf32, #tpu.memory_space<hbm>>
      %dma_wait3A_19 = arith.constant 0 : i32
      %dma_wait3A_20 = tpu.memref_slice %arg13[%multiple_of3A, %dma_wait3A_19] : memref<10112x128xf32, #tpu.memory_space<vmem_shared>> -> memref<632x128xf32, #tpu.memory_space<vmem_shared>>
      tpu.wait_dma2 semaphore(%run_scoped3A : memref<!tpu.dma_semaphore, #tpu.memory_space<semaphore_mem>>) src(%dma_wait3A_20 : memref<632x128xf32, #tpu.memory_space<vmem_shared>>) dst(%dma_wait3A_18 : memref<632x128xf32, #tpu.memory_space<hbm>>)
      tpu.yield
    }) : () -> ()
    return
  }
}

#map = affine_map<(d0, d1) -> (0, 0)>
#map1 = affine_map<(d0, d1) -> (0, 0, 0)>
module attributes {stable_mosaic.version = 14 : i64} {
  func.func @_scatter_body(%arg0: i32, %arg1: i32, %arg2: memref<10112x128xf32, #tpu.memory_space<hbm>>, %arg3: memref<32x80x128xi32, #tpu.memory_space<hbm>>, %arg4: memref<32x80x128xi32, #tpu.memory_space<hbm>>, %arg5: memref<632x128xf32, #tpu.memory_space<hbm>>, %arg6: memref<2x10112x128xf32, #tpu.memory_space<hbm>>, %arg7: memref<40x128xi32, #tpu.memory_space<vmem>>, %arg8: memref<40x128xi32, #tpu.memory_space<vmem>>, %arg9: memref<128x128xf32, #tpu.memory_space<vmem>>, %arg10: memref<128x128xf32, #tpu.memory_space<vmem>>, %arg11: memref<!tpu.dma_semaphore, #tpu.memory_space<semaphore_mem>>, %arg12: memref<!tpu.dma_semaphore, #tpu.memory_space<semaphore_mem>>, %arg13: memref<10112x128xf32, #tpu.memory_space<vmem_shared>>) attributes {dimension_semantics = [#tpu.dimension_semantics<core_parallel>, #tpu.dimension_semantics<subcore_parallel>], iteration_bounds = array<i64: 2, 16>, scalar_prefetch = 0 : i64, scratch_operands = 7 : i64, tpu.core_type = #tpu.core_type<sc_vector_subcore>, window_params = [{transform_indices = #map}, {transform_indices = #map1}, {transform_indices = #map1}, {transform_indices = #map}, {transform_indices = #map1}]} {
    %mul3A = arith.constant 16 : i32
    %mul3A_0 = arith.muli %arg0, %mul3A : i32
    %add3A = arith.addi %mul3A_0, %arg1 : i32
    %mul3A_1 = arith.constant 632 : i32
    %mul3A_2 = arith.muli %arg1, %mul3A_1 : i32
    %multiple_of3A = tpu.assume_multiple %mul3A_2, 8 : i32
    "tpu.region"() ({
      %run_scoped3A = tpu.sem_alloc : memref<!tpu.dma_semaphore, #tpu.memory_space<semaphore_mem>>
      %dma_start3A = arith.constant 0 : i32
      %dma_start3A_13 = tpu.memref_slice %arg13[%multiple_of3A, %dma_start3A] : memref<10112x128xf32, #tpu.memory_space<vmem_shared>> -> memref<632x128xf32, #tpu.memory_space<vmem_shared>>
      tpu.enqueue_dma source(%arg5 : memref<632x128xf32, #tpu.memory_space<hbm>>) target(%dma_start3A_13 : memref<632x128xf32, #tpu.memory_space<vmem_shared>>) target_semaphore(%run_scoped3A : memref<!tpu.dma_semaphore, #tpu.memory_space<semaphore_mem>>)
      %dma_wait3A = arith.constant 0 : i32
      %dma_wait3A_14 = tpu.memref_slice %arg13[%multiple_of3A, %dma_wait3A] : memref<10112x128xf32, #tpu.memory_space<vmem_shared>> -> memref<632x128xf32, #tpu.memory_space<vmem_shared>>
      tpu.wait_dma2 semaphore(%run_scoped3A : memref<!tpu.dma_semaphore, #tpu.memory_space<semaphore_mem>>) src(%arg5 : memref<632x128xf32, #tpu.memory_space<hbm>>) dst(%dma_wait3A_14 : memref<632x128xf32, #tpu.memory_space<vmem_shared>>)
      tpu.yield
    }) : () -> ()
    %barrier3A = arith.constant 0 : index
    tpu.barrier barrier_id(%barrier3A)
    "tpu.region"() ({
      %run_scoped3A = tpu.sem_alloc : memref<!tpu.dma_semaphore, #tpu.memory_space<semaphore_mem>>
      %dma_start3A = arith.constant 0 : i32
      %dma_start3A_13 = arith.constant 0 : i32
      %dma_start3A_14 = tpu.memref_slice %arg3[%add3A, %dma_start3A, %dma_start3A_13] : memref<32x80x128xi32, #tpu.memory_space<hbm>> -> memref<1x40x128xi32, #tpu.memory_space<hbm>>
      %dma_start3A_15 = tpu.memref_squeeze %dma_start3A_14 : memref<1x40x128xi32, #tpu.memory_space<hbm>> -> memref<40x128xi32, #tpu.memory_space<hbm>>
      %dma_start3A_16 = arith.constant 0 : i32
      %dma_start3A_17 = arith.constant 0 : i32
      %dma_start3A_18 = tpu.memref_slice %arg3[%add3A, %dma_start3A_16, %dma_start3A_17] : memref<32x80x128xi32, #tpu.memory_space<hbm>> -> memref<1x40x128xi32, #tpu.memory_space<hbm>>
      %dma_start3A_19 = tpu.memref_squeeze %dma_start3A_18 : memref<1x40x128xi32, #tpu.memory_space<hbm>> -> memref<40x128xi32, #tpu.memory_space<hbm>>
      tpu.enqueue_dma source(%dma_start3A_19 : memref<40x128xi32, #tpu.memory_space<hbm>>) target(%arg7 : memref<40x128xi32, #tpu.memory_space<vmem>>) target_semaphore(%run_scoped3A : memref<!tpu.dma_semaphore, #tpu.memory_space<semaphore_mem>>)
      %dma_wait3A = arith.constant 0 : i32
      %dma_wait3A_20 = arith.constant 0 : i32
      %dma_wait3A_21 = tpu.memref_slice %arg3[%add3A, %dma_wait3A, %dma_wait3A_20] : memref<32x80x128xi32, #tpu.memory_space<hbm>> -> memref<1x40x128xi32, #tpu.memory_space<hbm>>
      %dma_wait3A_22 = tpu.memref_squeeze %dma_wait3A_21 : memref<1x40x128xi32, #tpu.memory_space<hbm>> -> memref<40x128xi32, #tpu.memory_space<hbm>>
      %dma_wait3A_23 = arith.constant 0 : i32
      %dma_wait3A_24 = arith.constant 0 : i32
      %dma_wait3A_25 = tpu.memref_slice %arg3[%add3A, %dma_wait3A_23, %dma_wait3A_24] : memref<32x80x128xi32, #tpu.memory_space<hbm>> -> memref<1x40x128xi32, #tpu.memory_space<hbm>>
      %dma_wait3A_26 = tpu.memref_squeeze %dma_wait3A_25 : memref<1x40x128xi32, #tpu.memory_space<hbm>> -> memref<40x128xi32, #tpu.memory_space<hbm>>
      tpu.wait_dma2 semaphore(%run_scoped3A : memref<!tpu.dma_semaphore, #tpu.memory_space<semaphore_mem>>) src(%dma_wait3A_26 : memref<40x128xi32, #tpu.memory_space<hbm>>) dst(%arg7 : memref<40x128xi32, #tpu.memory_space<vmem>>)
      tpu.yield
    }) : () -> ()
    "tpu.region"() ({
      %run_scoped3A = tpu.sem_alloc : memref<!tpu.dma_semaphore, #tpu.memory_space<semaphore_mem>>
      %dma_start3A = arith.constant 0 : i32
      %dma_start3A_13 = arith.constant 0 : i32
      %dma_start3A_14 = tpu.memref_slice %arg4[%add3A, %dma_start3A, %dma_start3A_13] : memref<32x80x128xi32, #tpu.memory_space<hbm>> -> memref<1x40x128xi32, #tpu.memory_space<hbm>>
      %dma_start3A_15 = tpu.memref_squeeze %dma_start3A_14 : memref<1x40x128xi32, #tpu.memory_space<hbm>> -> memref<40x128xi32, #tpu.memory_space<hbm>>
      %dma_start3A_16 = arith.constant 0 : i32
      %dma_start3A_17 = arith.constant 0 : i32
      %dma_start3A_18 = tpu.memref_slice %arg4[%add3A, %dma_start3A_16, %dma_start3A_17] : memref<32x80x128xi32, #tpu.memory_space<hbm>> -> memref<1x40x128xi32, #tpu.memory_space<hbm>>
      %dma_start3A_19 = tpu.memref_squeeze %dma_start3A_18 : memref<1x40x128xi32, #tpu.memory_space<hbm>> -> memref<40x128xi32, #tpu.memory_space<hbm>>
      tpu.enqueue_dma source(%dma_start3A_19 : memref<40x128xi32, #tpu.memory_space<hbm>>) target(%arg8 : memref<40x128xi32, #tpu.memory_space<vmem>>) target_semaphore(%run_scoped3A : memref<!tpu.dma_semaphore, #tpu.memory_space<semaphore_mem>>)
      %dma_wait3A = arith.constant 0 : i32
      %dma_wait3A_20 = arith.constant 0 : i32
      %dma_wait3A_21 = tpu.memref_slice %arg4[%add3A, %dma_wait3A, %dma_wait3A_20] : memref<32x80x128xi32, #tpu.memory_space<hbm>> -> memref<1x40x128xi32, #tpu.memory_space<hbm>>
      %dma_wait3A_22 = tpu.memref_squeeze %dma_wait3A_21 : memref<1x40x128xi32, #tpu.memory_space<hbm>> -> memref<40x128xi32, #tpu.memory_space<hbm>>
      %dma_wait3A_23 = arith.constant 0 : i32
      %dma_wait3A_24 = arith.constant 0 : i32
      %dma_wait3A_25 = tpu.memref_slice %arg4[%add3A, %dma_wait3A_23, %dma_wait3A_24] : memref<32x80x128xi32, #tpu.memory_space<hbm>> -> memref<1x40x128xi32, #tpu.memory_space<hbm>>
      %dma_wait3A_26 = tpu.memref_squeeze %dma_wait3A_25 : memref<1x40x128xi32, #tpu.memory_space<hbm>> -> memref<40x128xi32, #tpu.memory_space<hbm>>
      tpu.wait_dma2 semaphore(%run_scoped3A : memref<!tpu.dma_semaphore, #tpu.memory_space<semaphore_mem>>) src(%dma_wait3A_26 : memref<40x128xi32, #tpu.memory_space<hbm>>) dst(%arg8 : memref<40x128xi32, #tpu.memory_space<vmem>>)
      tpu.yield
    }) : () -> ()
    %scan3A = arith.constant 0 : i32
    %scan3A_3 = arith.constant 20 : i32
    %scan3A_4 = arith.addi %scan3A, %scan3A_3 : i32
    %scan3A_5 = arith.constant 1 : i32
    scf.for %scan3A_13 = %scan3A to %scan3A_4 step %scan3A_5  : i32 {
      %mul3A_14 = arith.constant 1 : i32
      %mul3A_15 = arith.muli %scan3A_13, %mul3A_14 : i32
      %add3A_16 = arith.constant 0 : i32
      %add3A_17 = arith.addi %add3A_16, %mul3A_15 : i32
      %mul3A_18 = arith.constant 2 : i32
      %mul3A_19 = arith.muli %add3A_17, %mul3A_18 : i32
      %add3A_20 = arith.constant 0 : i32
      %add3A_21 = arith.addi %mul3A_19, %add3A_20 : i32
      %dma_start3A = arith.constant 0 : i32
      %dma_start3A_22 = tpu.memref_slice %arg7[%add3A_21, %dma_start3A] : memref<40x128xi32, #tpu.memory_space<vmem>> -> memref<1x128xi32, #tpu.memory_space<vmem>>
      %dma_start3A_23 = tpu.memref_squeeze %dma_start3A_22 : memref<1x128xi32, #tpu.memory_space<vmem>> -> memref<128xi32, #tpu.memory_space<vmem>>
      %dma_start3A_24 = arith.constant 0 : i32
      %dma_start3A_25 = arith.constant 0 : i32
      %dma_start3A_26 = tpu.memref_slice %arg2[%dma_start3A_24, %dma_start3A_25] : memref<10112x128xf32, #tpu.memory_space<hbm>> -> memref<10112x128xf32, #tpu.memory_space<hbm>>
      tpu.enqueue_indirect_dma source(%dma_start3A_26 : memref<10112x128xf32, #tpu.memory_space<hbm>>) target(%arg9 : memref<128x128xf32, #tpu.memory_space<vmem>>) offsets(%dma_start3A_23 : memref<128xi32, #tpu.memory_space<vmem>>) semaphore(%arg11 : memref<!tpu.dma_semaphore, #tpu.memory_space<semaphore_mem>>)
      %add3A_27 = arith.constant 1 : i32
      %add3A_28 = arith.addi %mul3A_19, %add3A_27 : i32
      %dma_start3A_29 = arith.constant 0 : i32
      %dma_start3A_30 = tpu.memref_slice %arg7[%add3A_28, %dma_start3A_29] : memref<40x128xi32, #tpu.memory_space<vmem>> -> memref<1x128xi32, #tpu.memory_space<vmem>>
      %dma_start3A_31 = tpu.memref_squeeze %dma_start3A_30 : memref<1x128xi32, #tpu.memory_space<vmem>> -> memref<128xi32, #tpu.memory_space<vmem>>
      %dma_start3A_32 = arith.constant 0 : i32
      %dma_start3A_33 = arith.constant 0 : i32
      %dma_start3A_34 = tpu.memref_slice %arg2[%dma_start3A_32, %dma_start3A_33] : memref<10112x128xf32, #tpu.memory_space<hbm>> -> memref<10112x128xf32, #tpu.memory_space<hbm>>
      tpu.enqueue_indirect_dma source(%dma_start3A_34 : memref<10112x128xf32, #tpu.memory_space<hbm>>) target(%arg10 : memref<128x128xf32, #tpu.memory_space<vmem>>) offsets(%dma_start3A_31 : memref<128xi32, #tpu.memory_space<vmem>>) semaphore(%arg12 : memref<!tpu.dma_semaphore, #tpu.memory_space<semaphore_mem>>)
      %dma_wait3A = arith.constant 0 : i32
      %dma_wait3A_35 = tpu.memref_slice %arg7[%add3A_21, %dma_wait3A] : memref<40x128xi32, #tpu.memory_space<vmem>> -> memref<1x128xi32, #tpu.memory_space<vmem>>
      %dma_wait3A_36 = tpu.memref_squeeze %dma_wait3A_35 : memref<1x128xi32, #tpu.memory_space<vmem>> -> memref<128xi32, #tpu.memory_space<vmem>>
      %dma_wait3A_37 = arith.constant 0 : i32
      %dma_wait3A_38 = arith.constant 0 : i32
      %dma_wait3A_39 = tpu.memref_slice %arg2[%dma_wait3A_37, %dma_wait3A_38] : memref<10112x128xf32, #tpu.memory_space<hbm>> -> memref<10112x128xf32, #tpu.memory_space<hbm>>
      tpu.wait_indirect_dma semaphore(%arg11 : memref<!tpu.dma_semaphore, #tpu.memory_space<semaphore_mem>>) src(%dma_wait3A_39 : memref<10112x128xf32, #tpu.memory_space<hbm>>) dst(%arg9 : memref<128x128xf32, #tpu.memory_space<vmem>>)
      %add3A_40 = arith.constant 0 : i32
      %add3A_41 = arith.addi %mul3A_19, %add3A_40 : i32
      "tpu.region"() ({
        %run_scoped3A = tpu.sem_alloc : memref<!tpu.dma_semaphore, #tpu.memory_space<semaphore_mem>>
        %dma_start3A_50 = arith.constant 0 : i32
        %dma_start3A_51 = tpu.memref_slice %arg8[%add3A_41, %dma_start3A_50] : memref<40x128xi32, #tpu.memory_space<vmem>> -> memref<1x128xi32, #tpu.memory_space<vmem>>
        %dma_start3A_52 = tpu.memref_squeeze %dma_start3A_51 : memref<1x128xi32, #tpu.memory_space<vmem>> -> memref<128xi32, #tpu.memory_space<vmem>>
        %dma_start3A_53 = arith.constant 0 : i32
        %dma_start3A_54 = arith.constant 0 : i32
        %dma_start3A_55 = tpu.memref_slice %arg13[%dma_start3A_53, %dma_start3A_54] : memref<10112x128xf32, #tpu.memory_space<vmem_shared>> -> memref<10112x128xf32, #tpu.memory_space<vmem_shared>>
        tpu.enqueue_indirect_dma source(%arg9 : memref<128x128xf32, #tpu.memory_space<vmem>>) target(%dma_start3A_55 : memref<10112x128xf32, #tpu.memory_space<vmem_shared>>) offsets(%dma_start3A_52 : memref<128xi32, #tpu.memory_space<vmem>>) semaphore(%run_scoped3A : memref<!tpu.dma_semaphore, #tpu.memory_space<semaphore_mem>>) {add = true}
        %dma_wait3A_56 = arith.constant 0 : i32
        %dma_wait3A_57 = tpu.memref_slice %arg8[%add3A_41, %dma_wait3A_56] : memref<40x128xi32, #tpu.memory_space<vmem>> -> memref<1x128xi32, #tpu.memory_space<vmem>>
        %dma_wait3A_58 = tpu.memref_squeeze %dma_wait3A_57 : memref<1x128xi32, #tpu.memory_space<vmem>> -> memref<128xi32, #tpu.memory_space<vmem>>
        %dma_wait3A_59 = arith.constant 0 : i32
        %dma_wait3A_60 = arith.constant 0 : i32
        %dma_wait3A_61 = tpu.memref_slice %arg13[%dma_wait3A_59, %dma_wait3A_60] : memref<10112x128xf32, #tpu.memory_space<vmem_shared>> -> memref<10112x128xf32, #tpu.memory_space<vmem_shared>>
        tpu.wait_indirect_dma semaphore(%run_scoped3A : memref<!tpu.dma_semaphore, #tpu.memory_space<semaphore_mem>>) src(%arg9 : memref<128x128xf32, #tpu.memory_space<vmem>>) dst(%dma_wait3A_61 : memref<10112x128xf32, #tpu.memory_space<vmem_shared>>)
        tpu.yield
      }) : () -> ()
      %dma_wait3A_42 = arith.constant 0 : i32
      %dma_wait3A_43 = tpu.memref_slice %arg7[%add3A_28, %dma_wait3A_42] : memref<40x128xi32, #tpu.memory_space<vmem>> -> memref<1x128xi32, #tpu.memory_space<vmem>>
      %dma_wait3A_44 = tpu.memref_squeeze %dma_wait3A_43 : memref<1x128xi32, #tpu.memory_space<vmem>> -> memref<128xi32, #tpu.memory_space<vmem>>
      %dma_wait3A_45 = arith.constant 0 : i32
      %dma_wait3A_46 = arith.constant 0 : i32
      %dma_wait3A_47 = tpu.memref_slice %arg2[%dma_wait3A_45, %dma_wait3A_46] : memref<10112x128xf32, #tpu.memory_space<hbm>> -> memref<10112x128xf32, #tpu.memory_space<hbm>>
      tpu.wait_indirect_dma semaphore(%arg12 : memref<!tpu.dma_semaphore, #tpu.memory_space<semaphore_mem>>) src(%dma_wait3A_47 : memref<10112x128xf32, #tpu.memory_space<hbm>>) dst(%arg10 : memref<128x128xf32, #tpu.memory_space<vmem>>)
      %add3A_48 = arith.constant 1 : i32
      %add3A_49 = arith.addi %mul3A_19, %add3A_48 : i32
      "tpu.region"() ({
        %run_scoped3A = tpu.sem_alloc : memref<!tpu.dma_semaphore, #tpu.memory_space<semaphore_mem>>
        %dma_start3A_50 = arith.constant 0 : i32
        %dma_start3A_51 = tpu.memref_slice %arg8[%add3A_49, %dma_start3A_50] : memref<40x128xi32, #tpu.memory_space<vmem>> -> memref<1x128xi32, #tpu.memory_space<vmem>>
        %dma_start3A_52 = tpu.memref_squeeze %dma_start3A_51 : memref<1x128xi32, #tpu.memory_space<vmem>> -> memref<128xi32, #tpu.memory_space<vmem>>
        %dma_start3A_53 = arith.constant 0 : i32
        %dma_start3A_54 = arith.constant 0 : i32
        %dma_start3A_55 = tpu.memref_slice %arg13[%dma_start3A_53, %dma_start3A_54] : memref<10112x128xf32, #tpu.memory_space<vmem_shared>> -> memref<10112x128xf32, #tpu.memory_space<vmem_shared>>
        tpu.enqueue_indirect_dma source(%arg10 : memref<128x128xf32, #tpu.memory_space<vmem>>) target(%dma_start3A_55 : memref<10112x128xf32, #tpu.memory_space<vmem_shared>>) offsets(%dma_start3A_52 : memref<128xi32, #tpu.memory_space<vmem>>) semaphore(%run_scoped3A : memref<!tpu.dma_semaphore, #tpu.memory_space<semaphore_mem>>) {add = true}
        %dma_wait3A_56 = arith.constant 0 : i32
        %dma_wait3A_57 = tpu.memref_slice %arg8[%add3A_49, %dma_wait3A_56] : memref<40x128xi32, #tpu.memory_space<vmem>> -> memref<1x128xi32, #tpu.memory_space<vmem>>
        %dma_wait3A_58 = tpu.memref_squeeze %dma_wait3A_57 : memref<1x128xi32, #tpu.memory_space<vmem>> -> memref<128xi32, #tpu.memory_space<vmem>>
        %dma_wait3A_59 = arith.constant 0 : i32
        %dma_wait3A_60 = arith.constant 0 : i32
        %dma_wait3A_61 = tpu.memref_slice %arg13[%dma_wait3A_59, %dma_wait3A_60] : memref<10112x128xf32, #tpu.memory_space<vmem_shared>> -> memref<10112x128xf32, #tpu.memory_space<vmem_shared>>
        tpu.wait_indirect_dma semaphore(%run_scoped3A : memref<!tpu.dma_semaphore, #tpu.memory_space<semaphore_mem>>) src(%arg10 : memref<128x128xf32, #tpu.memory_space<vmem>>) dst(%dma_wait3A_61 : memref<10112x128xf32, #tpu.memory_space<vmem_shared>>)
        tpu.yield
      }) : () -> ()
    }
    %scan3A_6 = arith.constant 20 : i32
    "tpu.region"() ({
      %run_scoped3A = tpu.sem_alloc : memref<!tpu.dma_semaphore, #tpu.memory_space<semaphore_mem>>
      %dma_start3A = arith.constant 40 : i32
      %dma_start3A_13 = arith.constant 0 : i32
      %dma_start3A_14 = tpu.memref_slice %arg3[%add3A, %dma_start3A, %dma_start3A_13] : memref<32x80x128xi32, #tpu.memory_space<hbm>> -> memref<1x40x128xi32, #tpu.memory_space<hbm>>
      %dma_start3A_15 = tpu.memref_squeeze %dma_start3A_14 : memref<1x40x128xi32, #tpu.memory_space<hbm>> -> memref<40x128xi32, #tpu.memory_space<hbm>>
      %dma_start3A_16 = arith.constant 40 : i32
      %dma_start3A_17 = arith.constant 0 : i32
      %dma_start3A_18 = tpu.memref_slice %arg3[%add3A, %dma_start3A_16, %dma_start3A_17] : memref<32x80x128xi32, #tpu.memory_space<hbm>> -> memref<1x40x128xi32, #tpu.memory_space<hbm>>
      %dma_start3A_19 = tpu.memref_squeeze %dma_start3A_18 : memref<1x40x128xi32, #tpu.memory_space<hbm>> -> memref<40x128xi32, #tpu.memory_space<hbm>>
      tpu.enqueue_dma source(%dma_start3A_19 : memref<40x128xi32, #tpu.memory_space<hbm>>) target(%arg7 : memref<40x128xi32, #tpu.memory_space<vmem>>) target_semaphore(%run_scoped3A : memref<!tpu.dma_semaphore, #tpu.memory_space<semaphore_mem>>)
      %dma_wait3A = arith.constant 40 : i32
      %dma_wait3A_20 = arith.constant 0 : i32
      %dma_wait3A_21 = tpu.memref_slice %arg3[%add3A, %dma_wait3A, %dma_wait3A_20] : memref<32x80x128xi32, #tpu.memory_space<hbm>> -> memref<1x40x128xi32, #tpu.memory_space<hbm>>
      %dma_wait3A_22 = tpu.memref_squeeze %dma_wait3A_21 : memref<1x40x128xi32, #tpu.memory_space<hbm>> -> memref<40x128xi32, #tpu.memory_space<hbm>>
      %dma_wait3A_23 = arith.constant 40 : i32
      %dma_wait3A_24 = arith.constant 0 : i32
      %dma_wait3A_25 = tpu.memref_slice %arg3[%add3A, %dma_wait3A_23, %dma_wait3A_24] : memref<32x80x128xi32, #tpu.memory_space<hbm>> -> memref<1x40x128xi32, #tpu.memory_space<hbm>>
      %dma_wait3A_26 = tpu.memref_squeeze %dma_wait3A_25 : memref<1x40x128xi32, #tpu.memory_space<hbm>> -> memref<40x128xi32, #tpu.memory_space<hbm>>
      tpu.wait_dma2 semaphore(%run_scoped3A : memref<!tpu.dma_semaphore, #tpu.memory_space<semaphore_mem>>) src(%dma_wait3A_26 : memref<40x128xi32, #tpu.memory_space<hbm>>) dst(%arg7 : memref<40x128xi32, #tpu.memory_space<vmem>>)
      tpu.yield
    }) : () -> ()
    "tpu.region"() ({
      %run_scoped3A = tpu.sem_alloc : memref<!tpu.dma_semaphore, #tpu.memory_space<semaphore_mem>>
      %dma_start3A = arith.constant 40 : i32
      %dma_start3A_13 = arith.constant 0 : i32
      %dma_start3A_14 = tpu.memref_slice %arg4[%add3A, %dma_start3A, %dma_start3A_13] : memref<32x80x128xi32, #tpu.memory_space<hbm>> -> memref<1x40x128xi32, #tpu.memory_space<hbm>>
      %dma_start3A_15 = tpu.memref_squeeze %dma_start3A_14 : memref<1x40x128xi32, #tpu.memory_space<hbm>> -> memref<40x128xi32, #tpu.memory_space<hbm>>
      %dma_start3A_16 = arith.constant 40 : i32
      %dma_start3A_17 = arith.constant 0 : i32
      %dma_start3A_18 = tpu.memref_slice %arg4[%add3A, %dma_start3A_16, %dma_start3A_17] : memref<32x80x128xi32, #tpu.memory_space<hbm>> -> memref<1x40x128xi32, #tpu.memory_space<hbm>>
      %dma_start3A_19 = tpu.memref_squeeze %dma_start3A_18 : memref<1x40x128xi32, #tpu.memory_space<hbm>> -> memref<40x128xi32, #tpu.memory_space<hbm>>
      tpu.enqueue_dma source(%dma_start3A_19 : memref<40x128xi32, #tpu.memory_space<hbm>>) target(%arg8 : memref<40x128xi32, #tpu.memory_space<vmem>>) target_semaphore(%run_scoped3A : memref<!tpu.dma_semaphore, #tpu.memory_space<semaphore_mem>>)
      %dma_wait3A = arith.constant 40 : i32
      %dma_wait3A_20 = arith.constant 0 : i32
      %dma_wait3A_21 = tpu.memref_slice %arg4[%add3A, %dma_wait3A, %dma_wait3A_20] : memref<32x80x128xi32, #tpu.memory_space<hbm>> -> memref<1x40x128xi32, #tpu.memory_space<hbm>>
      %dma_wait3A_22 = tpu.memref_squeeze %dma_wait3A_21 : memref<1x40x128xi32, #tpu.memory_space<hbm>> -> memref<40x128xi32, #tpu.memory_space<hbm>>
      %dma_wait3A_23 = arith.constant 40 : i32
      %dma_wait3A_24 = arith.constant 0 : i32
      %dma_wait3A_25 = tpu.memref_slice %arg4[%add3A, %dma_wait3A_23, %dma_wait3A_24] : memref<32x80x128xi32, #tpu.memory_space<hbm>> -> memref<1x40x128xi32, #tpu.memory_space<hbm>>
      %dma_wait3A_26 = tpu.memref_squeeze %dma_wait3A_25 : memref<1x40x128xi32, #tpu.memory_space<hbm>> -> memref<40x128xi32, #tpu.memory_space<hbm>>
      tpu.wait_dma2 semaphore(%run_scoped3A : memref<!tpu.dma_semaphore, #tpu.memory_space<semaphore_mem>>) src(%dma_wait3A_26 : memref<40x128xi32, #tpu.memory_space<hbm>>) dst(%arg8 : memref<40x128xi32, #tpu.memory_space<vmem>>)
      tpu.yield
    }) : () -> ()
    %scan3A_7 = arith.constant 0 : i32
    %scan3A_8 = arith.constant 20 : i32
    %scan3A_9 = arith.addi %scan3A_7, %scan3A_8 : i32
    %scan3A_10 = arith.constant 1 : i32
    scf.for %scan3A_13 = %scan3A_7 to %scan3A_9 step %scan3A_10  : i32 {
      %mul3A_14 = arith.constant 1 : i32
      %mul3A_15 = arith.muli %scan3A_13, %mul3A_14 : i32
      %add3A_16 = arith.constant 0 : i32
      %add3A_17 = arith.addi %add3A_16, %mul3A_15 : i32
      %mul3A_18 = arith.constant 2 : i32
      %mul3A_19 = arith.muli %add3A_17, %mul3A_18 : i32
      %add3A_20 = arith.constant 0 : i32
      %add3A_21 = arith.addi %mul3A_19, %add3A_20 : i32
      %dma_start3A = arith.constant 0 : i32
      %dma_start3A_22 = tpu.memref_slice %arg7[%add3A_21, %dma_start3A] : memref<40x128xi32, #tpu.memory_space<vmem>> -> memref<1x128xi32, #tpu.memory_space<vmem>>
      %dma_start3A_23 = tpu.memref_squeeze %dma_start3A_22 : memref<1x128xi32, #tpu.memory_space<vmem>> -> memref<128xi32, #tpu.memory_space<vmem>>
      %dma_start3A_24 = arith.constant 0 : i32
      %dma_start3A_25 = arith.constant 0 : i32
      %dma_start3A_26 = tpu.memref_slice %arg2[%dma_start3A_24, %dma_start3A_25] : memref<10112x128xf32, #tpu.memory_space<hbm>> -> memref<10112x128xf32, #tpu.memory_space<hbm>>
      tpu.enqueue_indirect_dma source(%dma_start3A_26 : memref<10112x128xf32, #tpu.memory_space<hbm>>) target(%arg9 : memref<128x128xf32, #tpu.memory_space<vmem>>) offsets(%dma_start3A_23 : memref<128xi32, #tpu.memory_space<vmem>>) semaphore(%arg11 : memref<!tpu.dma_semaphore, #tpu.memory_space<semaphore_mem>>)
      %add3A_27 = arith.constant 1 : i32
      %add3A_28 = arith.addi %mul3A_19, %add3A_27 : i32
      %dma_start3A_29 = arith.constant 0 : i32
      %dma_start3A_30 = tpu.memref_slice %arg7[%add3A_28, %dma_start3A_29] : memref<40x128xi32, #tpu.memory_space<vmem>> -> memref<1x128xi32, #tpu.memory_space<vmem>>
      %dma_start3A_31 = tpu.memref_squeeze %dma_start3A_30 : memref<1x128xi32, #tpu.memory_space<vmem>> -> memref<128xi32, #tpu.memory_space<vmem>>
      %dma_start3A_32 = arith.constant 0 : i32
      %dma_start3A_33 = arith.constant 0 : i32
      %dma_start3A_34 = tpu.memref_slice %arg2[%dma_start3A_32, %dma_start3A_33] : memref<10112x128xf32, #tpu.memory_space<hbm>> -> memref<10112x128xf32, #tpu.memory_space<hbm>>
      tpu.enqueue_indirect_dma source(%dma_start3A_34 : memref<10112x128xf32, #tpu.memory_space<hbm>>) target(%arg10 : memref<128x128xf32, #tpu.memory_space<vmem>>) offsets(%dma_start3A_31 : memref<128xi32, #tpu.memory_space<vmem>>) semaphore(%arg12 : memref<!tpu.dma_semaphore, #tpu.memory_space<semaphore_mem>>)
      %dma_wait3A = arith.constant 0 : i32
      %dma_wait3A_35 = tpu.memref_slice %arg7[%add3A_21, %dma_wait3A] : memref<40x128xi32, #tpu.memory_space<vmem>> -> memref<1x128xi32, #tpu.memory_space<vmem>>
      %dma_wait3A_36 = tpu.memref_squeeze %dma_wait3A_35 : memref<1x128xi32, #tpu.memory_space<vmem>> -> memref<128xi32, #tpu.memory_space<vmem>>
      %dma_wait3A_37 = arith.constant 0 : i32
      %dma_wait3A_38 = arith.constant 0 : i32
      %dma_wait3A_39 = tpu.memref_slice %arg2[%dma_wait3A_37, %dma_wait3A_38] : memref<10112x128xf32, #tpu.memory_space<hbm>> -> memref<10112x128xf32, #tpu.memory_space<hbm>>
      tpu.wait_indirect_dma semaphore(%arg11 : memref<!tpu.dma_semaphore, #tpu.memory_space<semaphore_mem>>) src(%dma_wait3A_39 : memref<10112x128xf32, #tpu.memory_space<hbm>>) dst(%arg9 : memref<128x128xf32, #tpu.memory_space<vmem>>)
      %add3A_40 = arith.constant 0 : i32
      %add3A_41 = arith.addi %mul3A_19, %add3A_40 : i32
      "tpu.region"() ({
        %run_scoped3A = tpu.sem_alloc : memref<!tpu.dma_semaphore, #tpu.memory_space<semaphore_mem>>
        %dma_start3A_50 = arith.constant 0 : i32
        %dma_start3A_51 = tpu.memref_slice %arg8[%add3A_41, %dma_start3A_50] : memref<40x128xi32, #tpu.memory_space<vmem>> -> memref<1x128xi32, #tpu.memory_space<vmem>>
        %dma_start3A_52 = tpu.memref_squeeze %dma_start3A_51 : memref<1x128xi32, #tpu.memory_space<vmem>> -> memref<128xi32, #tpu.memory_space<vmem>>
        %dma_start3A_53 = arith.constant 0 : i32
        %dma_start3A_54 = arith.constant 0 : i32
        %dma_start3A_55 = tpu.memref_slice %arg13[%dma_start3A_53, %dma_start3A_54] : memref<10112x128xf32, #tpu.memory_space<vmem_shared>> -> memref<10112x128xf32, #tpu.memory_space<vmem_shared>>
        tpu.enqueue_indirect_dma source(%arg9 : memref<128x128xf32, #tpu.memory_space<vmem>>) target(%dma_start3A_55 : memref<10112x128xf32, #tpu.memory_space<vmem_shared>>) offsets(%dma_start3A_52 : memref<128xi32, #tpu.memory_space<vmem>>) semaphore(%run_scoped3A : memref<!tpu.dma_semaphore, #tpu.memory_space<semaphore_mem>>) {add = true}
        %dma_wait3A_56 = arith.constant 0 : i32
        %dma_wait3A_57 = tpu.memref_slice %arg8[%add3A_41, %dma_wait3A_56] : memref<40x128xi32, #tpu.memory_space<vmem>> -> memref<1x128xi32, #tpu.memory_space<vmem>>
        %dma_wait3A_58 = tpu.memref_squeeze %dma_wait3A_57 : memref<1x128xi32, #tpu.memory_space<vmem>> -> memref<128xi32, #tpu.memory_space<vmem>>
        %dma_wait3A_59 = arith.constant 0 : i32
        %dma_wait3A_60 = arith.constant 0 : i32
        %dma_wait3A_61 = tpu.memref_slice %arg13[%dma_wait3A_59, %dma_wait3A_60] : memref<10112x128xf32, #tpu.memory_space<vmem_shared>> -> memref<10112x128xf32, #tpu.memory_space<vmem_shared>>
        tpu.wait_indirect_dma semaphore(%run_scoped3A : memref<!tpu.dma_semaphore, #tpu.memory_space<semaphore_mem>>) src(%arg9 : memref<128x128xf32, #tpu.memory_space<vmem>>) dst(%dma_wait3A_61 : memref<10112x128xf32, #tpu.memory_space<vmem_shared>>)
        tpu.yield
      }) : () -> ()
      %dma_wait3A_42 = arith.constant 0 : i32
      %dma_wait3A_43 = tpu.memref_slice %arg7[%add3A_28, %dma_wait3A_42] : memref<40x128xi32, #tpu.memory_space<vmem>> -> memref<1x128xi32, #tpu.memory_space<vmem>>
      %dma_wait3A_44 = tpu.memref_squeeze %dma_wait3A_43 : memref<1x128xi32, #tpu.memory_space<vmem>> -> memref<128xi32, #tpu.memory_space<vmem>>
      %dma_wait3A_45 = arith.constant 0 : i32
      %dma_wait3A_46 = arith.constant 0 : i32
      %dma_wait3A_47 = tpu.memref_slice %arg2[%dma_wait3A_45, %dma_wait3A_46] : memref<10112x128xf32, #tpu.memory_space<hbm>> -> memref<10112x128xf32, #tpu.memory_space<hbm>>
      tpu.wait_indirect_dma semaphore(%arg12 : memref<!tpu.dma_semaphore, #tpu.memory_space<semaphore_mem>>) src(%dma_wait3A_47 : memref<10112x128xf32, #tpu.memory_space<hbm>>) dst(%arg10 : memref<128x128xf32, #tpu.memory_space<vmem>>)
      %add3A_48 = arith.constant 1 : i32
      %add3A_49 = arith.addi %mul3A_19, %add3A_48 : i32
      "tpu.region"() ({
        %run_scoped3A = tpu.sem_alloc : memref<!tpu.dma_semaphore, #tpu.memory_space<semaphore_mem>>
        %dma_start3A_50 = arith.constant 0 : i32
        %dma_start3A_51 = tpu.memref_slice %arg8[%add3A_49, %dma_start3A_50] : memref<40x128xi32, #tpu.memory_space<vmem>> -> memref<1x128xi32, #tpu.memory_space<vmem>>
        %dma_start3A_52 = tpu.memref_squeeze %dma_start3A_51 : memref<1x128xi32, #tpu.memory_space<vmem>> -> memref<128xi32, #tpu.memory_space<vmem>>
        %dma_start3A_53 = arith.constant 0 : i32
        %dma_start3A_54 = arith.constant 0 : i32
        %dma_start3A_55 = tpu.memref_slice %arg13[%dma_start3A_53, %dma_start3A_54] : memref<10112x128xf32, #tpu.memory_space<vmem_shared>> -> memref<10112x128xf32, #tpu.memory_space<vmem_shared>>
        tpu.enqueue_indirect_dma source(%arg10 : memref<128x128xf32, #tpu.memory_space<vmem>>) target(%dma_start3A_55 : memref<10112x128xf32, #tpu.memory_space<vmem_shared>>) offsets(%dma_start3A_52 : memref<128xi32, #tpu.memory_space<vmem>>) semaphore(%run_scoped3A : memref<!tpu.dma_semaphore, #tpu.memory_space<semaphore_mem>>) {add = true}
        %dma_wait3A_56 = arith.constant 0 : i32
        %dma_wait3A_57 = tpu.memref_slice %arg8[%add3A_49, %dma_wait3A_56] : memref<40x128xi32, #tpu.memory_space<vmem>> -> memref<1x128xi32, #tpu.memory_space<vmem>>
        %dma_wait3A_58 = tpu.memref_squeeze %dma_wait3A_57 : memref<1x128xi32, #tpu.memory_space<vmem>> -> memref<128xi32, #tpu.memory_space<vmem>>
        %dma_wait3A_59 = arith.constant 0 : i32
        %dma_wait3A_60 = arith.constant 0 : i32
        %dma_wait3A_61 = tpu.memref_slice %arg13[%dma_wait3A_59, %dma_wait3A_60] : memref<10112x128xf32, #tpu.memory_space<vmem_shared>> -> memref<10112x128xf32, #tpu.memory_space<vmem_shared>>
        tpu.wait_indirect_dma semaphore(%run_scoped3A : memref<!tpu.dma_semaphore, #tpu.memory_space<semaphore_mem>>) src(%arg10 : memref<128x128xf32, #tpu.memory_space<vmem>>) dst(%dma_wait3A_61 : memref<10112x128xf32, #tpu.memory_space<vmem_shared>>)
        tpu.yield
      }) : () -> ()
    }
    %scan3A_11 = arith.constant 20 : i32
    %barrier3A_12 = arith.constant 0 : index
    tpu.barrier barrier_id(%barrier3A_12)
    "tpu.region"() ({
      %run_scoped3A = tpu.sem_alloc : memref<!tpu.dma_semaphore, #tpu.memory_space<semaphore_mem>>
      %dma_start3A = arith.constant 0 : i32
      %dma_start3A_13 = tpu.memref_slice %arg6[%arg0, %multiple_of3A, %dma_start3A] : memref<2x10112x128xf32, #tpu.memory_space<hbm>> -> memref<1x632x128xf32, #tpu.memory_space<hbm>>
      %dma_start3A_14 = tpu.memref_squeeze %dma_start3A_13 : memref<1x632x128xf32, #tpu.memory_space<hbm>> -> memref<632x128xf32, #tpu.memory_space<hbm>>
      %dma_start3A_15 = arith.constant 0 : i32
      %dma_start3A_16 = tpu.memref_slice %arg13[%multiple_of3A, %dma_start3A_15] : memref<10112x128xf32, #tpu.memory_space<vmem_shared>> -> memref<632x128xf32, #tpu.memory_space<vmem_shared>>
      tpu.enqueue_dma source(%dma_start3A_16 : memref<632x128xf32, #tpu.memory_space<vmem_shared>>) target(%dma_start3A_14 : memref<632x128xf32, #tpu.memory_space<hbm>>) target_semaphore(%run_scoped3A : memref<!tpu.dma_semaphore, #tpu.memory_space<semaphore_mem>>)
      %dma_wait3A = arith.constant 0 : i32
      %dma_wait3A_17 = tpu.memref_slice %arg6[%arg0, %multiple_of3A, %dma_wait3A] : memref<2x10112x128xf32, #tpu.memory_space<hbm>> -> memref<1x632x128xf32, #tpu.memory_space<hbm>>
      %dma_wait3A_18 = tpu.memref_squeeze %dma_wait3A_17 : memref<1x632x128xf32, #tpu.memory_space<hbm>> -> memref<632x128xf32, #tpu.memory_space<hbm>>
      %dma_wait3A_19 = arith.constant 0 : i32
      %dma_wait3A_20 = tpu.memref_slice %arg13[%multiple_of3A, %dma_wait3A_19] : memref<10112x128xf32, #tpu.memory_space<vmem_shared>> -> memref<632x128xf32, #tpu.memory_space<vmem_shared>>
      tpu.wait_dma2 semaphore(%run_scoped3A : memref<!tpu.dma_semaphore, #tpu.memory_space<semaphore_mem>>) src(%dma_wait3A_20 : memref<632x128xf32, #tpu.memory_space<vmem_shared>>) dst(%dma_wait3A_18 : memref<632x128xf32, #tpu.memory_space<hbm>>)
      tpu.yield
    }) : () -> ()
    return
  }
}

#map = affine_map<(d0, d1) -> (0, 0, 0)>
#map1 = affine_map<(d0, d1) -> (0, 0)>
module attributes {stable_mosaic.version = 14 : i64} {
  func.func @_deg_body(%arg0: i32, %arg1: i32, %arg2: memref<32x80x128xi32, #tpu.memory_space<hbm>>, %arg3: memref<32x80x128xi32, #tpu.memory_space<hbm>>, %arg4: memref<128x128xf32, #tpu.memory_space<hbm>>, %arg5: memref<128x128xf32, #tpu.memory_space<hbm>>, %arg6: memref<632x128xf32, #tpu.memory_space<hbm>>, %arg7: memref<2x10112x128xf32, #tpu.memory_space<hbm>>, %arg8: memref<80x128xi32, #tpu.memory_space<vmem>>, %arg9: memref<80x128xi32, #tpu.memory_space<vmem>>, %arg10: memref<128x128xf32, #tpu.memory_space<vmem>>, %arg11: memref<!tpu.dma_semaphore, #tpu.memory_space<semaphore_mem>>, %arg12: memref<!tpu.dma_semaphore, #tpu.memory_space<semaphore_mem>>, %arg13: memref<10112x128xf32, #tpu.memory_space<vmem_shared>>) attributes {dimension_semantics = [#tpu.dimension_semantics<core_parallel>, #tpu.dimension_semantics<subcore_parallel>], iteration_bounds = array<i64: 2, 16>, scalar_prefetch = 0 : i64, scratch_operands = 6 : i64, tpu.core_type = #tpu.core_type<sc_vector_subcore>, window_params = [{transform_indices = #map}, {transform_indices = #map}, {transform_indices = #map1}, {transform_indices = #map1}, {transform_indices = #map1}, {transform_indices = #map}]} {
    %mul3A = arith.constant 16 : i32
    %mul3A_0 = arith.muli %arg0, %mul3A : i32
    %add3A = arith.addi %mul3A_0, %arg1 : i32
    %mul3A_1 = arith.constant 632 : i32
    %mul3A_2 = arith.muli %arg1, %mul3A_1 : i32
    %multiple_of3A = tpu.assume_multiple %mul3A_2, 8 : i32
    "tpu.region"() ({
      %run_scoped3A = tpu.sem_alloc : memref<!tpu.dma_semaphore, #tpu.memory_space<semaphore_mem>>
      %dma_start3A = arith.constant 0 : i32
      %dma_start3A_13 = tpu.memref_slice %arg13[%multiple_of3A, %dma_start3A] : memref<10112x128xf32, #tpu.memory_space<vmem_shared>> -> memref<632x128xf32, #tpu.memory_space<vmem_shared>>
      tpu.enqueue_dma source(%arg6 : memref<632x128xf32, #tpu.memory_space<hbm>>) target(%dma_start3A_13 : memref<632x128xf32, #tpu.memory_space<vmem_shared>>) target_semaphore(%run_scoped3A : memref<!tpu.dma_semaphore, #tpu.memory_space<semaphore_mem>>)
      %dma_wait3A = arith.constant 0 : i32
      %dma_wait3A_14 = tpu.memref_slice %arg13[%multiple_of3A, %dma_wait3A] : memref<10112x128xf32, #tpu.memory_space<vmem_shared>> -> memref<632x128xf32, #tpu.memory_space<vmem_shared>>
      tpu.wait_dma2 semaphore(%run_scoped3A : memref<!tpu.dma_semaphore, #tpu.memory_space<semaphore_mem>>) src(%arg6 : memref<632x128xf32, #tpu.memory_space<hbm>>) dst(%dma_wait3A_14 : memref<632x128xf32, #tpu.memory_space<vmem_shared>>)
      tpu.yield
    }) : () -> ()
    "tpu.region"() ({
      %run_scoped3A = tpu.sem_alloc : memref<!tpu.dma_semaphore, #tpu.memory_space<semaphore_mem>>
      %dma_start3A = arith.constant 0 : i32
      %dma_start3A_13 = arith.constant 0 : i32
      %dma_start3A_14 = tpu.memref_slice %arg2[%add3A, %dma_start3A, %dma_start3A_13] : memref<32x80x128xi32, #tpu.memory_space<hbm>> -> memref<1x80x128xi32, #tpu.memory_space<hbm>>
      %dma_start3A_15 = tpu.memref_squeeze %dma_start3A_14 : memref<1x80x128xi32, #tpu.memory_space<hbm>> -> memref<80x128xi32, #tpu.memory_space<hbm>>
      %dma_start3A_16 = arith.constant 0 : i32
      %dma_start3A_17 = arith.constant 0 : i32
      %dma_start3A_18 = tpu.memref_slice %arg2[%add3A, %dma_start3A_16, %dma_start3A_17] : memref<32x80x128xi32, #tpu.memory_space<hbm>> -> memref<1x80x128xi32, #tpu.memory_space<hbm>>
      %dma_start3A_19 = tpu.memref_squeeze %dma_start3A_18 : memref<1x80x128xi32, #tpu.memory_space<hbm>> -> memref<80x128xi32, #tpu.memory_space<hbm>>
      tpu.enqueue_dma source(%dma_start3A_19 : memref<80x128xi32, #tpu.memory_space<hbm>>) target(%arg8 : memref<80x128xi32, #tpu.memory_space<vmem>>) target_semaphore(%run_scoped3A : memref<!tpu.dma_semaphore, #tpu.memory_space<semaphore_mem>>)
      %dma_wait3A = arith.constant 0 : i32
      %dma_wait3A_20 = arith.constant 0 : i32
      %dma_wait3A_21 = tpu.memref_slice %arg2[%add3A, %dma_wait3A, %dma_wait3A_20] : memref<32x80x128xi32, #tpu.memory_space<hbm>> -> memref<1x80x128xi32, #tpu.memory_space<hbm>>
      %dma_wait3A_22 = tpu.memref_squeeze %dma_wait3A_21 : memref<1x80x128xi32, #tpu.memory_space<hbm>> -> memref<80x128xi32, #tpu.memory_space<hbm>>
      %dma_wait3A_23 = arith.constant 0 : i32
      %dma_wait3A_24 = arith.constant 0 : i32
      %dma_wait3A_25 = tpu.memref_slice %arg2[%add3A, %dma_wait3A_23, %dma_wait3A_24] : memref<32x80x128xi32, #tpu.memory_space<hbm>> -> memref<1x80x128xi32, #tpu.memory_space<hbm>>
      %dma_wait3A_26 = tpu.memref_squeeze %dma_wait3A_25 : memref<1x80x128xi32, #tpu.memory_space<hbm>> -> memref<80x128xi32, #tpu.memory_space<hbm>>
      tpu.wait_dma2 semaphore(%run_scoped3A : memref<!tpu.dma_semaphore, #tpu.memory_space<semaphore_mem>>) src(%dma_wait3A_26 : memref<80x128xi32, #tpu.memory_space<hbm>>) dst(%arg8 : memref<80x128xi32, #tpu.memory_space<vmem>>)
      tpu.yield
    }) : () -> ()
    "tpu.region"() ({
      %run_scoped3A = tpu.sem_alloc : memref<!tpu.dma_semaphore, #tpu.memory_space<semaphore_mem>>
      %dma_start3A = arith.constant 0 : i32
      %dma_start3A_13 = arith.constant 0 : i32
      %dma_start3A_14 = tpu.memref_slice %arg3[%add3A, %dma_start3A, %dma_start3A_13] : memref<32x80x128xi32, #tpu.memory_space<hbm>> -> memref<1x80x128xi32, #tpu.memory_space<hbm>>
      %dma_start3A_15 = tpu.memref_squeeze %dma_start3A_14 : memref<1x80x128xi32, #tpu.memory_space<hbm>> -> memref<80x128xi32, #tpu.memory_space<hbm>>
      %dma_start3A_16 = arith.constant 0 : i32
      %dma_start3A_17 = arith.constant 0 : i32
      %dma_start3A_18 = tpu.memref_slice %arg3[%add3A, %dma_start3A_16, %dma_start3A_17] : memref<32x80x128xi32, #tpu.memory_space<hbm>> -> memref<1x80x128xi32, #tpu.memory_space<hbm>>
      %dma_start3A_19 = tpu.memref_squeeze %dma_start3A_18 : memref<1x80x128xi32, #tpu.memory_space<hbm>> -> memref<80x128xi32, #tpu.memory_space<hbm>>
      tpu.enqueue_dma source(%dma_start3A_19 : memref<80x128xi32, #tpu.memory_space<hbm>>) target(%arg9 : memref<80x128xi32, #tpu.memory_space<vmem>>) target_semaphore(%run_scoped3A : memref<!tpu.dma_semaphore, #tpu.memory_space<semaphore_mem>>)
      %dma_wait3A = arith.constant 0 : i32
      %dma_wait3A_20 = arith.constant 0 : i32
      %dma_wait3A_21 = tpu.memref_slice %arg3[%add3A, %dma_wait3A, %dma_wait3A_20] : memref<32x80x128xi32, #tpu.memory_space<hbm>> -> memref<1x80x128xi32, #tpu.memory_space<hbm>>
      %dma_wait3A_22 = tpu.memref_squeeze %dma_wait3A_21 : memref<1x80x128xi32, #tpu.memory_space<hbm>> -> memref<80x128xi32, #tpu.memory_space<hbm>>
      %dma_wait3A_23 = arith.constant 0 : i32
      %dma_wait3A_24 = arith.constant 0 : i32
      %dma_wait3A_25 = tpu.memref_slice %arg3[%add3A, %dma_wait3A_23, %dma_wait3A_24] : memref<32x80x128xi32, #tpu.memory_space<hbm>> -> memref<1x80x128xi32, #tpu.memory_space<hbm>>
      %dma_wait3A_26 = tpu.memref_squeeze %dma_wait3A_25 : memref<1x80x128xi32, #tpu.memory_space<hbm>> -> memref<80x128xi32, #tpu.memory_space<hbm>>
      tpu.wait_dma2 semaphore(%run_scoped3A : memref<!tpu.dma_semaphore, #tpu.memory_space<semaphore_mem>>) src(%dma_wait3A_26 : memref<80x128xi32, #tpu.memory_space<hbm>>) dst(%arg9 : memref<80x128xi32, #tpu.memory_space<vmem>>)
      tpu.yield
    }) : () -> ()
    "tpu.region"() ({
      %run_scoped3A = tpu.sem_alloc : memref<!tpu.dma_semaphore, #tpu.memory_space<semaphore_mem>>
      tpu.enqueue_dma source(%arg4 : memref<128x128xf32, #tpu.memory_space<hbm>>) target(%arg10 : memref<128x128xf32, #tpu.memory_space<vmem>>) target_semaphore(%run_scoped3A : memref<!tpu.dma_semaphore, #tpu.memory_space<semaphore_mem>>)
      tpu.wait_dma2 semaphore(%run_scoped3A : memref<!tpu.dma_semaphore, #tpu.memory_space<semaphore_mem>>) src(%arg4 : memref<128x128xf32, #tpu.memory_space<hbm>>) dst(%arg10 : memref<128x128xf32, #tpu.memory_space<vmem>>)
      tpu.yield
    }) : () -> ()
    %barrier3A = arith.constant 0 : index
    tpu.barrier barrier_id(%barrier3A)
    %scan3A = arith.constant 0 : i32
    %scan3A_3 = arith.constant 40 : i32
    %scan3A_4 = arith.addi %scan3A, %scan3A_3 : i32
    %scan3A_5 = arith.constant 1 : i32
    scf.for %scan3A_13 = %scan3A to %scan3A_4 step %scan3A_5  : i32 {
      %mul3A_14 = arith.constant 1 : i32
      %mul3A_15 = arith.muli %scan3A_13, %mul3A_14 : i32
      %add3A_16 = arith.constant 0 : i32
      %add3A_17 = arith.addi %add3A_16, %mul3A_15 : i32
      %mul3A_18 = arith.constant 2 : i32
      %mul3A_19 = arith.muli %mul3A_18, %add3A_17 : i32
      %add3A_20 = arith.constant 0 : i32
      %add3A_21 = arith.addi %mul3A_19, %add3A_20 : i32
      %dma_start3A = arith.constant 0 : i32
      %dma_start3A_22 = tpu.memref_slice %arg8[%add3A_21, %dma_start3A] : memref<80x128xi32, #tpu.memory_space<vmem>> -> memref<1x128xi32, #tpu.memory_space<vmem>>
      %dma_start3A_23 = tpu.memref_squeeze %dma_start3A_22 : memref<1x128xi32, #tpu.memory_space<vmem>> -> memref<128xi32, #tpu.memory_space<vmem>>
      %dma_start3A_24 = arith.constant 0 : i32
      %dma_start3A_25 = arith.constant 0 : i32
      %dma_start3A_26 = tpu.memref_slice %arg13[%dma_start3A_24, %dma_start3A_25] : memref<10112x128xf32, #tpu.memory_space<vmem_shared>> -> memref<10112x128xf32, #tpu.memory_space<vmem_shared>>
      tpu.enqueue_indirect_dma source(%arg10 : memref<128x128xf32, #tpu.memory_space<vmem>>) target(%dma_start3A_26 : memref<10112x128xf32, #tpu.memory_space<vmem_shared>>) offsets(%dma_start3A_23 : memref<128xi32, #tpu.memory_space<vmem>>) semaphore(%arg11 : memref<!tpu.dma_semaphore, #tpu.memory_space<semaphore_mem>>) {add = true}
      %add3A_27 = arith.constant 1 : i32
      %add3A_28 = arith.addi %mul3A_19, %add3A_27 : i32
      %dma_start3A_29 = arith.constant 0 : i32
      %dma_start3A_30 = tpu.memref_slice %arg8[%add3A_28, %dma_start3A_29] : memref<80x128xi32, #tpu.memory_space<vmem>> -> memref<1x128xi32, #tpu.memory_space<vmem>>
      %dma_start3A_31 = tpu.memref_squeeze %dma_start3A_30 : memref<1x128xi32, #tpu.memory_space<vmem>> -> memref<128xi32, #tpu.memory_space<vmem>>
      %dma_start3A_32 = arith.constant 0 : i32
      %dma_start3A_33 = arith.constant 0 : i32
      %dma_start3A_34 = tpu.memref_slice %arg13[%dma_start3A_32, %dma_start3A_33] : memref<10112x128xf32, #tpu.memory_space<vmem_shared>> -> memref<10112x128xf32, #tpu.memory_space<vmem_shared>>
      tpu.enqueue_indirect_dma source(%arg10 : memref<128x128xf32, #tpu.memory_space<vmem>>) target(%dma_start3A_34 : memref<10112x128xf32, #tpu.memory_space<vmem_shared>>) offsets(%dma_start3A_31 : memref<128xi32, #tpu.memory_space<vmem>>) semaphore(%arg12 : memref<!tpu.dma_semaphore, #tpu.memory_space<semaphore_mem>>) {add = true}
      %dma_wait3A = arith.constant 0 : i32
      %dma_wait3A_35 = tpu.memref_slice %arg8[%add3A_21, %dma_wait3A] : memref<80x128xi32, #tpu.memory_space<vmem>> -> memref<1x128xi32, #tpu.memory_space<vmem>>
      %dma_wait3A_36 = tpu.memref_squeeze %dma_wait3A_35 : memref<1x128xi32, #tpu.memory_space<vmem>> -> memref<128xi32, #tpu.memory_space<vmem>>
      %dma_wait3A_37 = arith.constant 0 : i32
      %dma_wait3A_38 = arith.constant 0 : i32
      %dma_wait3A_39 = tpu.memref_slice %arg13[%dma_wait3A_37, %dma_wait3A_38] : memref<10112x128xf32, #tpu.memory_space<vmem_shared>> -> memref<10112x128xf32, #tpu.memory_space<vmem_shared>>
      tpu.wait_indirect_dma semaphore(%arg11 : memref<!tpu.dma_semaphore, #tpu.memory_space<semaphore_mem>>) src(%arg10 : memref<128x128xf32, #tpu.memory_space<vmem>>) dst(%dma_wait3A_39 : memref<10112x128xf32, #tpu.memory_space<vmem_shared>>)
      %dma_wait3A_40 = arith.constant 0 : i32
      %dma_wait3A_41 = tpu.memref_slice %arg8[%add3A_28, %dma_wait3A_40] : memref<80x128xi32, #tpu.memory_space<vmem>> -> memref<1x128xi32, #tpu.memory_space<vmem>>
      %dma_wait3A_42 = tpu.memref_squeeze %dma_wait3A_41 : memref<1x128xi32, #tpu.memory_space<vmem>> -> memref<128xi32, #tpu.memory_space<vmem>>
      %dma_wait3A_43 = arith.constant 0 : i32
      %dma_wait3A_44 = arith.constant 0 : i32
      %dma_wait3A_45 = tpu.memref_slice %arg13[%dma_wait3A_43, %dma_wait3A_44] : memref<10112x128xf32, #tpu.memory_space<vmem_shared>> -> memref<10112x128xf32, #tpu.memory_space<vmem_shared>>
      tpu.wait_indirect_dma semaphore(%arg12 : memref<!tpu.dma_semaphore, #tpu.memory_space<semaphore_mem>>) src(%arg10 : memref<128x128xf32, #tpu.memory_space<vmem>>) dst(%dma_wait3A_45 : memref<10112x128xf32, #tpu.memory_space<vmem_shared>>)
    }
    %scan3A_6 = arith.constant 40 : i32
    "tpu.region"() ({
      %run_scoped3A = tpu.sem_alloc : memref<!tpu.dma_semaphore, #tpu.memory_space<semaphore_mem>>
      tpu.enqueue_dma source(%arg5 : memref<128x128xf32, #tpu.memory_space<hbm>>) target(%arg10 : memref<128x128xf32, #tpu.memory_space<vmem>>) target_semaphore(%run_scoped3A : memref<!tpu.dma_semaphore, #tpu.memory_space<semaphore_mem>>)
      tpu.wait_dma2 semaphore(%run_scoped3A : memref<!tpu.dma_semaphore, #tpu.memory_space<semaphore_mem>>) src(%arg5 : memref<128x128xf32, #tpu.memory_space<hbm>>) dst(%arg10 : memref<128x128xf32, #tpu.memory_space<vmem>>)
      tpu.yield
    }) : () -> ()
    %scan3A_7 = arith.constant 0 : i32
    %scan3A_8 = arith.constant 40 : i32
    %scan3A_9 = arith.addi %scan3A_7, %scan3A_8 : i32
    %scan3A_10 = arith.constant 1 : i32
    scf.for %scan3A_13 = %scan3A_7 to %scan3A_9 step %scan3A_10  : i32 {
      %mul3A_14 = arith.constant 1 : i32
      %mul3A_15 = arith.muli %scan3A_13, %mul3A_14 : i32
      %add3A_16 = arith.constant 0 : i32
      %add3A_17 = arith.addi %add3A_16, %mul3A_15 : i32
      %mul3A_18 = arith.constant 2 : i32
      %mul3A_19 = arith.muli %mul3A_18, %add3A_17 : i32
      %add3A_20 = arith.constant 0 : i32
      %add3A_21 = arith.addi %mul3A_19, %add3A_20 : i32
      %dma_start3A = arith.constant 0 : i32
      %dma_start3A_22 = tpu.memref_slice %arg9[%add3A_21, %dma_start3A] : memref<80x128xi32, #tpu.memory_space<vmem>> -> memref<1x128xi32, #tpu.memory_space<vmem>>
      %dma_start3A_23 = tpu.memref_squeeze %dma_start3A_22 : memref<1x128xi32, #tpu.memory_space<vmem>> -> memref<128xi32, #tpu.memory_space<vmem>>
      %dma_start3A_24 = arith.constant 0 : i32
      %dma_start3A_25 = arith.constant 0 : i32
      %dma_start3A_26 = tpu.memref_slice %arg13[%dma_start3A_24, %dma_start3A_25] : memref<10112x128xf32, #tpu.memory_space<vmem_shared>> -> memref<10112x128xf32, #tpu.memory_space<vmem_shared>>
      tpu.enqueue_indirect_dma source(%arg10 : memref<128x128xf32, #tpu.memory_space<vmem>>) target(%dma_start3A_26 : memref<10112x128xf32, #tpu.memory_space<vmem_shared>>) offsets(%dma_start3A_23 : memref<128xi32, #tpu.memory_space<vmem>>) semaphore(%arg11 : memref<!tpu.dma_semaphore, #tpu.memory_space<semaphore_mem>>) {add = true}
      %add3A_27 = arith.constant 1 : i32
      %add3A_28 = arith.addi %mul3A_19, %add3A_27 : i32
      %dma_start3A_29 = arith.constant 0 : i32
      %dma_start3A_30 = tpu.memref_slice %arg9[%add3A_28, %dma_start3A_29] : memref<80x128xi32, #tpu.memory_space<vmem>> -> memref<1x128xi32, #tpu.memory_space<vmem>>
      %dma_start3A_31 = tpu.memref_squeeze %dma_start3A_30 : memref<1x128xi32, #tpu.memory_space<vmem>> -> memref<128xi32, #tpu.memory_space<vmem>>
      %dma_start3A_32 = arith.constant 0 : i32
      %dma_start3A_33 = arith.constant 0 : i32
      %dma_start3A_34 = tpu.memref_slice %arg13[%dma_start3A_32, %dma_start3A_33] : memref<10112x128xf32, #tpu.memory_space<vmem_shared>> -> memref<10112x128xf32, #tpu.memory_space<vmem_shared>>
      tpu.enqueue_indirect_dma source(%arg10 : memref<128x128xf32, #tpu.memory_space<vmem>>) target(%dma_start3A_34 : memref<10112x128xf32, #tpu.memory_space<vmem_shared>>) offsets(%dma_start3A_31 : memref<128xi32, #tpu.memory_space<vmem>>) semaphore(%arg12 : memref<!tpu.dma_semaphore, #tpu.memory_space<semaphore_mem>>) {add = true}
      %dma_wait3A = arith.constant 0 : i32
      %dma_wait3A_35 = tpu.memref_slice %arg9[%add3A_21, %dma_wait3A] : memref<80x128xi32, #tpu.memory_space<vmem>> -> memref<1x128xi32, #tpu.memory_space<vmem>>
      %dma_wait3A_36 = tpu.memref_squeeze %dma_wait3A_35 : memref<1x128xi32, #tpu.memory_space<vmem>> -> memref<128xi32, #tpu.memory_space<vmem>>
      %dma_wait3A_37 = arith.constant 0 : i32
      %dma_wait3A_38 = arith.constant 0 : i32
      %dma_wait3A_39 = tpu.memref_slice %arg13[%dma_wait3A_37, %dma_wait3A_38] : memref<10112x128xf32, #tpu.memory_space<vmem_shared>> -> memref<10112x128xf32, #tpu.memory_space<vmem_shared>>
      tpu.wait_indirect_dma semaphore(%arg11 : memref<!tpu.dma_semaphore, #tpu.memory_space<semaphore_mem>>) src(%arg10 : memref<128x128xf32, #tpu.memory_space<vmem>>) dst(%dma_wait3A_39 : memref<10112x128xf32, #tpu.memory_space<vmem_shared>>)
      %dma_wait3A_40 = arith.constant 0 : i32
      %dma_wait3A_41 = tpu.memref_slice %arg9[%add3A_28, %dma_wait3A_40] : memref<80x128xi32, #tpu.memory_space<vmem>> -> memref<1x128xi32, #tpu.memory_space<vmem>>
      %dma_wait3A_42 = tpu.memref_squeeze %dma_wait3A_41 : memref<1x128xi32, #tpu.memory_space<vmem>> -> memref<128xi32, #tpu.memory_space<vmem>>
      %dma_wait3A_43 = arith.constant 0 : i32
      %dma_wait3A_44 = arith.constant 0 : i32
      %dma_wait3A_45 = tpu.memref_slice %arg13[%dma_wait3A_43, %dma_wait3A_44] : memref<10112x128xf32, #tpu.memory_space<vmem_shared>> -> memref<10112x128xf32, #tpu.memory_space<vmem_shared>>
      tpu.wait_indirect_dma semaphore(%arg12 : memref<!tpu.dma_semaphore, #tpu.memory_space<semaphore_mem>>) src(%arg10 : memref<128x128xf32, #tpu.memory_space<vmem>>) dst(%dma_wait3A_45 : memref<10112x128xf32, #tpu.memory_space<vmem_shared>>)
    }
    %scan3A_11 = arith.constant 40 : i32
    %barrier3A_12 = arith.constant 0 : index
    tpu.barrier barrier_id(%barrier3A_12)
    "tpu.region"() ({
      %run_scoped3A = tpu.sem_alloc : memref<!tpu.dma_semaphore, #tpu.memory_space<semaphore_mem>>
      %dma_start3A = arith.constant 0 : i32
      %dma_start3A_13 = tpu.memref_slice %arg7[%arg0, %multiple_of3A, %dma_start3A] : memref<2x10112x128xf32, #tpu.memory_space<hbm>> -> memref<1x632x128xf32, #tpu.memory_space<hbm>>
      %dma_start3A_14 = tpu.memref_squeeze %dma_start3A_13 : memref<1x632x128xf32, #tpu.memory_space<hbm>> -> memref<632x128xf32, #tpu.memory_space<hbm>>
      %dma_start3A_15 = arith.constant 0 : i32
      %dma_start3A_16 = tpu.memref_slice %arg13[%multiple_of3A, %dma_start3A_15] : memref<10112x128xf32, #tpu.memory_space<vmem_shared>> -> memref<632x128xf32, #tpu.memory_space<vmem_shared>>
      tpu.enqueue_dma source(%dma_start3A_16 : memref<632x128xf32, #tpu.memory_space<vmem_shared>>) target(%dma_start3A_14 : memref<632x128xf32, #tpu.memory_space<hbm>>) target_semaphore(%run_scoped3A : memref<!tpu.dma_semaphore, #tpu.memory_space<semaphore_mem>>)
      %dma_wait3A = arith.constant 0 : i32
      %dma_wait3A_17 = tpu.memref_slice %arg7[%arg0, %multiple_of3A, %dma_wait3A] : memref<2x10112x128xf32, #tpu.memory_space<hbm>> -> memref<1x632x128xf32, #tpu.memory_space<hbm>>
      %dma_wait3A_18 = tpu.memref_squeeze %dma_wait3A_17 : memref<1x632x128xf32, #tpu.memory_space<hbm>> -> memref<632x128xf32, #tpu.memory_space<hbm>>
      %dma_wait3A_19 = arith.constant 0 : i32
      %dma_wait3A_20 = tpu.memref_slice %arg13[%multiple_of3A, %dma_wait3A_19] : memref<10112x128xf32, #tpu.memory_space<vmem_shared>> -> memref<632x128xf32, #tpu.memory_space<vmem_shared>>
      tpu.wait_dma2 semaphore(%run_scoped3A : memref<!tpu.dma_semaphore, #tpu.memory_space<semaphore_mem>>) src(%dma_wait3A_20 : memref<632x128xf32, #tpu.memory_space<vmem_shared>>) dst(%dma_wait3A_18 : memref<632x128xf32, #tpu.memory_space<hbm>>)
      tpu.yield
    }) : () -> ()
    return
  }
}

module attributes {stable_mosaic.version = 14 : i64} {
  func.func @_tc1_body(%arg0: memref<10112x128xf32, #tpu.memory_space<vmem>>, %arg1: memref<2x10112x128xf32, #tpu.memory_space<vmem>>, %arg2: memref<128x128xf32, #tpu.memory_space<vmem>>, %arg3: memref<10112x128xf32, #tpu.memory_space<vmem>>) attributes {dimension_semantics = [], scalar_prefetch = 0 : i64, scratch_operands = 0 : i64, tpu.core_type = #tpu.core_type<tc>} {
    %get3A = arith.constant 0 : index
    %get3A_0 = arith.constant 0 : index
    %get3A_1 = arith.constant 0 : index
    %get3A_2 = vector.load %arg1[%get3A, %get3A_0, %get3A_1] : memref<2x10112x128xf32, #tpu.memory_space<vmem>>, vector<1x10112x1xf32>
    %get3A_3 = vector.shape_cast %get3A_2 : vector<1x10112x1xf32> to vector<10112x1xf32>
    %get3A_4 = arith.constant 1 : index
    %get3A_5 = arith.constant 0 : index
    %get3A_6 = arith.constant 0 : index
    %get3A_7 = vector.load %arg1[%get3A_4, %get3A_5, %get3A_6] : memref<2x10112x128xf32, #tpu.memory_space<vmem>>, vector<1x10112x1xf32>
    %get3A_8 = vector.shape_cast %get3A_7 : vector<1x10112x1xf32> to vector<10112x1xf32>
    %add3A = arith.addf %get3A_3, %get3A_8 : vector<10112x1xf32>
    %max3A = arith.constant 1.000000e+00 : f32
    %max3A_9 = vector.broadcast %max3A : f32 to vector<10112x1xf32>
    %max3A_10 = arith.maximumf %add3A, %max3A_9 : vector<10112x1xf32>
    %rsqrt3A = math.rsqrt %max3A_10 : vector<10112x1xf32>
    %get3A_11 = arith.constant 0 : index
    %get3A_12 = arith.constant 0 : index
    %get3A_13 = vector.load %arg0[%get3A_11, %get3A_12] : memref<10112x128xf32, #tpu.memory_space<vmem>>, vector<10112x128xf32>
    %mul3A = vector.broadcast %rsqrt3A : vector<10112x1xf32> to vector<10112x128xf32>
    %mul3A_14 = arith.mulf %get3A_13, %mul3A : vector<10112x128xf32>
    %get3A_15 = arith.constant 0 : index
    %get3A_16 = arith.constant 0 : index
    %get3A_17 = vector.load %arg2[%get3A_15, %get3A_16] : memref<128x128xf32, #tpu.memory_space<vmem>>, vector<128x128xf32>
    %dot_general3A = arith.constant dense<0.000000e+00> : vector<10112x128xf32>
    %dot_general3A_18 = tpu.matmul %mul3A_14, %get3A_17, %dot_general3A {dimension_numbers = #tpu.dot_dimension_numbers<[1], [0], [0], [1], [0, 0, 1, 1], [], []>, transpose_lhs_hint = false} : vector<10112x128xf32>, vector<128x128xf32>, vector<10112x128xf32> -> vector<10112x128xf32>
    %swap3A = arith.constant 0 : index
    %swap3A_19 = arith.constant 0 : index
    %swap3A_20 = vector.load %arg3[%swap3A, %swap3A_19] : memref<10112x128xf32, #tpu.memory_space<vmem>>, vector<10112x128xf32>
    tpu.vector_store %arg3[%swap3A, %swap3A_19], %dot_general3A_18 {strides = array<i32>} : memref<10112x128xf32, #tpu.memory_space<vmem>>, vector<10112x128xf32>,
    return
  }
}

module attributes {stable_mosaic.version = 14 : i64} {
  func.func @_tc2_body(%arg0: memref<2x10112x128xf32, #tpu.memory_space<vmem>>, %arg1: memref<2x10112x128xf32, #tpu.memory_space<vmem>>, %arg2: memref<1x128xf32, #tpu.memory_space<vmem>>, %arg3: memref<1x128xf32, #tpu.memory_space<vmem>>, %arg4: memref<1x128xf32, #tpu.memory_space<vmem>>, %arg5: memref<1x1xf32, #tpu.memory_space<vmem>>, %arg6: memref<128x128xf32, #tpu.memory_space<vmem>>, %arg7: memref<10112x128xf32, #tpu.memory_space<vmem>>) attributes {dimension_semantics = [], scalar_prefetch = 0 : i64, scratch_operands = 0 : i64, tpu.core_type = #tpu.core_type<tc>} {
    %get3A = arith.constant 0 : index
    %get3A_0 = arith.constant 0 : index
    %get3A_1 = arith.constant 0 : index
    %get3A_2 = vector.load %arg0[%get3A, %get3A_0, %get3A_1] : memref<2x10112x128xf32, #tpu.memory_space<vmem>>, vector<1x10112x128xf32>
    %get3A_3 = vector.shape_cast %get3A_2 : vector<1x10112x128xf32> to vector<10112x128xf32>
    %get3A_4 = arith.constant 1 : index
    %get3A_5 = arith.constant 0 : index
    %get3A_6 = arith.constant 0 : index
    %get3A_7 = vector.load %arg0[%get3A_4, %get3A_5, %get3A_6] : memref<2x10112x128xf32, #tpu.memory_space<vmem>>, vector<1x10112x128xf32>
    %get3A_8 = vector.shape_cast %get3A_7 : vector<1x10112x128xf32> to vector<10112x128xf32>
    %add3A = arith.addf %get3A_3, %get3A_8 : vector<10112x128xf32>
    %get3A_9 = arith.constant 0 : index
    %get3A_10 = arith.constant 0 : index
    %get3A_11 = arith.constant 1 : index
    %get3A_12 = vector.load %arg1[%get3A_9, %get3A_10, %get3A_11] : memref<2x10112x128xf32, #tpu.memory_space<vmem>>, vector<1x10112x1xf32>
    %get3A_13 = vector.shape_cast %get3A_12 : vector<1x10112x1xf32> to vector<10112x1xf32>
    %get3A_14 = arith.constant 1 : index
    %get3A_15 = arith.constant 0 : index
    %get3A_16 = arith.constant 1 : index
    %get3A_17 = vector.load %arg1[%get3A_14, %get3A_15, %get3A_16] : memref<2x10112x128xf32, #tpu.memory_space<vmem>>, vector<1x10112x1xf32>
    %get3A_18 = vector.shape_cast %get3A_17 : vector<1x10112x1xf32> to vector<10112x1xf32>
    %add3A_19 = arith.addf %get3A_13, %get3A_18 : vector<10112x1xf32>
    %max3A = arith.constant 1.000000e+00 : f32
    %max3A_20 = vector.broadcast %max3A : f32 to vector<10112x1xf32>
    %max3A_21 = arith.maximumf %add3A_19, %max3A_20 : vector<10112x1xf32>
    %rsqrt3A = math.rsqrt %max3A_21 : vector<10112x1xf32>
    %mul3A = vector.broadcast %rsqrt3A : vector<10112x1xf32> to vector<10112x128xf32>
    %mul3A_22 = arith.mulf %add3A, %mul3A : vector<10112x128xf32>
    %get3A_23 = arith.constant 0 : index
    %get3A_24 = arith.constant 0 : index
    %get3A_25 = vector.load %arg2[%get3A_23, %get3A_24] : memref<1x128xf32, #tpu.memory_space<vmem>>, vector<1x128xf32>
    %add3A_26 = vector.broadcast %get3A_25 : vector<1x128xf32> to vector<10112x128xf32>
    %add3A_27 = arith.addf %mul3A_22, %add3A_26 : vector<10112x128xf32>
    %reduce_sum3A = arith.constant dense<0.000000e+00> : vector<10112xf32>
    %reduce_sum3A_28 = vector.multi_reduction <add>, %add3A_27, %reduce_sum3A [1] : vector<10112x128xf32> to vector<10112xf32>
    %broadcast_in_dim3A = vector.shape_cast %reduce_sum3A_28 : vector<10112xf32> to vector<10112x1xf32>
    %div3A = arith.constant 1.280000e+02 : f32
    %div3A_29 = vector.broadcast %div3A : f32 to vector<10112x1xf32>
    %div3A_30 = arith.divf %broadcast_in_dim3A, %div3A_29 : vector<10112x1xf32>
    %sub3A = vector.broadcast %div3A_30 : vector<10112x1xf32> to vector<10112x128xf32>
    %sub3A_31 = arith.subf %add3A_27, %sub3A : vector<10112x128xf32>
    %integer_pow3A = arith.mulf %sub3A_31, %sub3A_31 : vector<10112x128xf32>
    %reduce_sum3A_32 = arith.constant dense<0.000000e+00> : vector<10112xf32>
    %reduce_sum3A_33 = vector.multi_reduction <add>, %integer_pow3A, %reduce_sum3A_32 [1] : vector<10112x128xf32> to vector<10112xf32>
    %broadcast_in_dim3A_34 = vector.shape_cast %reduce_sum3A_33 : vector<10112xf32> to vector<10112x1xf32>
    %div3A_35 = arith.constant 1.280000e+02 : f32
    %div3A_36 = vector.broadcast %div3A_35 : f32 to vector<10112x1xf32>
    %div3A_37 = arith.divf %broadcast_in_dim3A_34, %div3A_36 : vector<10112x1xf32>
    %sub3A_38 = vector.broadcast %div3A_30 : vector<10112x1xf32> to vector<10112x128xf32>
    %sub3A_39 = arith.subf %add3A_27, %sub3A_38 : vector<10112x128xf32>
    %add3A_40 = arith.constant 9.99999974E-6 : f32
    %add3A_41 = vector.broadcast %add3A_40 : f32 to vector<10112x1xf32>
    %add3A_42 = arith.addf %div3A_37, %add3A_41 : vector<10112x1xf32>
    %rsqrt3A_43 = math.rsqrt %add3A_42 : vector<10112x1xf32>
    %mul3A_44 = vector.broadcast %rsqrt3A_43 : vector<10112x1xf32> to vector<10112x128xf32>
    %mul3A_45 = arith.mulf %sub3A_39, %mul3A_44 : vector<10112x128xf32>
    %get3A_46 = arith.constant 0 : index
    %get3A_47 = arith.constant 0 : index
    %get3A_48 = vector.load %arg3[%get3A_46, %get3A_47] : memref<1x128xf32, #tpu.memory_space<vmem>>, vector<1x128xf32>
    %mul3A_49 = vector.broadcast %get3A_48 : vector<1x128xf32> to vector<10112x128xf32>
    %mul3A_50 = arith.mulf %mul3A_45, %mul3A_49 : vector<10112x128xf32>
    %get3A_51 = arith.constant 0 : index
    %get3A_52 = arith.constant 0 : index
    %get3A_53 = vector.load %arg4[%get3A_51, %get3A_52] : memref<1x128xf32, #tpu.memory_space<vmem>>, vector<1x128xf32>
    %add3A_54 = vector.broadcast %get3A_53 : vector<1x128xf32> to vector<10112x128xf32>
    %add3A_55 = arith.addf %mul3A_50, %add3A_54 : vector<10112x128xf32>
    %gt3A = arith.constant 0.000000e+00 : f32
    %gt3A_56 = vector.broadcast %gt3A : f32 to vector<10112x128xf32>
    %gt3A_57 = arith.cmpf ogt, %add3A_55, %gt3A_56 : vector<10112x128xf32>
    %get3A_58 = arith.constant 0 : index
    %get3A_59 = arith.constant 0 : index
    %get3A_60 = vector.load %arg5[%get3A_58, %get3A_59] : memref<1x1xf32, #tpu.memory_space<vmem>>, vector<1x1xf32>
    %get3A_61 = vector.extract %get3A_60[0, 0] : f32 from vector<1x1xf32>
    %mul3A_62 = vector.broadcast %get3A_61 : f32 to vector<10112x128xf32>
    %mul3A_63 = arith.mulf %mul3A_62, %add3A_55 : vector<10112x128xf32>
    %select_n3A = arith.select %gt3A_57, %add3A_55, %mul3A_63 : vector<10112x128xi1>, vector<10112x128xf32>
    %get3A_64 = arith.constant 0 : index
    %get3A_65 = arith.constant 0 : index
    %get3A_66 = arith.constant 0 : index
    %get3A_67 = vector.load %arg1[%get3A_64, %get3A_65, %get3A_66] : memref<2x10112x128xf32, #tpu.memory_space<vmem>>, vector<1x10112x1xf32>
    %get3A_68 = vector.shape_cast %get3A_67 : vector<1x10112x1xf32> to vector<10112x1xf32>
    %get3A_69 = arith.constant 1 : index
    %get3A_70 = arith.constant 0 : index
    %get3A_71 = arith.constant 0 : index
    %get3A_72 = vector.load %arg1[%get3A_69, %get3A_70, %get3A_71] : memref<2x10112x128xf32, #tpu.memory_space<vmem>>, vector<1x10112x1xf32>
    %get3A_73 = vector.shape_cast %get3A_72 : vector<1x10112x1xf32> to vector<10112x1xf32>
    %add3A_74 = arith.addf %get3A_68, %get3A_73 : vector<10112x1xf32>
    %max3A_75 = arith.constant 1.000000e+00 : f32
    %max3A_76 = vector.broadcast %max3A_75 : f32 to vector<10112x1xf32>
    %max3A_77 = arith.maximumf %add3A_74, %max3A_76 : vector<10112x1xf32>
    %rsqrt3A_78 = math.rsqrt %max3A_77 : vector<10112x1xf32>
    %mul3A_79 = vector.broadcast %rsqrt3A_78 : vector<10112x1xf32> to vector<10112x128xf32>
    %mul3A_80 = arith.mulf %select_n3A, %mul3A_79 : vector<10112x128xf32>
    %get3A_81 = arith.constant 0 : index
    %get3A_82 = arith.constant 0 : index
    %get3A_83 = vector.load %arg6[%get3A_81, %get3A_82] : memref<128x128xf32, #tpu.memory_space<vmem>>, vector<128x128xf32>
    %dot_general3A = arith.constant dense<0.000000e+00> : vector<10112x128xf32>
    %dot_general3A_84 = tpu.matmul %mul3A_80, %get3A_83, %dot_general3A {dimension_numbers = #tpu.dot_dimension_numbers<[1], [0], [0], [1], [0, 0, 1, 1], [], []>, transpose_lhs_hint = false} : vector<10112x128xf32>, vector<128x128xf32>, vector<10112x128xf32> -> vector<10112x128xf32>
    %swap3A = arith.constant 0 : index
    %swap3A_85 = arith.constant 0 : index
    %swap3A_86 = vector.load %arg7[%swap3A, %swap3A_85] : memref<10112x128xf32, #tpu.memory_space<vmem>>, vector<10112x128xf32>
    tpu.vector_store %arg7[%swap3A, %swap3A_85], %dot_general3A_84 {strides = array<i32>} : memref<10112x128xf32, #tpu.memory_space<vmem>>, vector<10112x128xf32>,
    return
  }
}

module attributes {stable_mosaic.version = 14 : i64} {
  func.func @_tc3_body(%arg0: memref<2x10112x128xf32, #tpu.memory_space<vmem>>, %arg1: memref<2x10112x128xf32, #tpu.memory_space<vmem>>, %arg2: memref<1x128xf32, #tpu.memory_space<vmem>>, %arg3: memref<1x128xf32, #tpu.memory_space<vmem>>, %arg4: memref<1x128xf32, #tpu.memory_space<vmem>>, %arg5: memref<1x1xf32, #tpu.memory_space<vmem>>, %arg6: memref<10000x128xf32, #tpu.memory_space<vmem>>) attributes {dimension_semantics = [], scalar_prefetch = 0 : i64, scratch_operands = 0 : i64, tpu.core_type = #tpu.core_type<tc>} {
    %get3A = arith.constant 0 : index
    %get3A_0 = arith.constant 0 : index
    %get3A_1 = arith.constant 0 : index
    %get3A_2 = vector.load %arg0[%get3A, %get3A_0, %get3A_1] : memref<2x10112x128xf32, #tpu.memory_space<vmem>>, vector<1x10000x128xf32>
    %get3A_3 = vector.shape_cast %get3A_2 : vector<1x10000x128xf32> to vector<10000x128xf32>
    %get3A_4 = arith.constant 1 : index
    %get3A_5 = arith.constant 0 : index
    %get3A_6 = arith.constant 0 : index
    %get3A_7 = vector.load %arg0[%get3A_4, %get3A_5, %get3A_6] : memref<2x10112x128xf32, #tpu.memory_space<vmem>>, vector<1x10000x128xf32>
    %get3A_8 = vector.shape_cast %get3A_7 : vector<1x10000x128xf32> to vector<10000x128xf32>
    %add3A = arith.addf %get3A_3, %get3A_8 : vector<10000x128xf32>
    %get3A_9 = arith.constant 0 : index
    %get3A_10 = arith.constant 0 : index
    %get3A_11 = arith.constant 1 : index
    %get3A_12 = vector.load %arg1[%get3A_9, %get3A_10, %get3A_11] : memref<2x10112x128xf32, #tpu.memory_space<vmem>>, vector<1x10112x1xf32>
    %get3A_13 = vector.shape_cast %get3A_12 : vector<1x10112x1xf32> to vector<10112x1xf32>
    %get3A_14 = arith.constant 1 : index
    %get3A_15 = arith.constant 0 : index
    %get3A_16 = arith.constant 1 : index
    %get3A_17 = vector.load %arg1[%get3A_14, %get3A_15, %get3A_16] : memref<2x10112x128xf32, #tpu.memory_space<vmem>>, vector<1x10112x1xf32>
    %get3A_18 = vector.shape_cast %get3A_17 : vector<1x10112x1xf32> to vector<10112x1xf32>
    %add3A_19 = arith.addf %get3A_13, %get3A_18 : vector<10112x1xf32>
    %max3A = arith.constant 1.000000e+00 : f32
    %max3A_20 = vector.broadcast %max3A : f32 to vector<10112x1xf32>
    %max3A_21 = arith.maximumf %add3A_19, %max3A_20 : vector<10112x1xf32>
    %rsqrt3A = math.rsqrt %max3A_21 : vector<10112x1xf32>
    %slice3A = vector.extract_strided_slice %rsqrt3A {offsets = [0, 0], sizes = [10000, 1], strides = [1, 1]} : vector<10112x1xf32> to vector<10000x1xf32>
    %mul3A = vector.broadcast %slice3A : vector<10000x1xf32> to vector<10000x128xf32>
    %mul3A_22 = arith.mulf %add3A, %mul3A : vector<10000x128xf32>
    %get3A_23 = arith.constant 0 : index
    %get3A_24 = arith.constant 0 : index
    %get3A_25 = vector.load %arg2[%get3A_23, %get3A_24] : memref<1x128xf32, #tpu.memory_space<vmem>>, vector<1x128xf32>
    %add3A_26 = vector.broadcast %get3A_25 : vector<1x128xf32> to vector<10000x128xf32>
    %add3A_27 = arith.addf %mul3A_22, %add3A_26 : vector<10000x128xf32>
    %reduce_sum3A = arith.constant dense<0.000000e+00> : vector<10000xf32>
    %reduce_sum3A_28 = vector.multi_reduction <add>, %add3A_27, %reduce_sum3A [1] : vector<10000x128xf32> to vector<10000xf32>
    %broadcast_in_dim3A = vector.shape_cast %reduce_sum3A_28 : vector<10000xf32> to vector<10000x1xf32>
    %div3A = arith.constant 1.280000e+02 : f32
    %div3A_29 = vector.broadcast %div3A : f32 to vector<10000x1xf32>
    %div3A_30 = arith.divf %broadcast_in_dim3A, %div3A_29 : vector<10000x1xf32>
    %sub3A = vector.broadcast %div3A_30 : vector<10000x1xf32> to vector<10000x128xf32>
    %sub3A_31 = arith.subf %add3A_27, %sub3A : vector<10000x128xf32>
    %integer_pow3A = arith.mulf %sub3A_31, %sub3A_31 : vector<10000x128xf32>
    %reduce_sum3A_32 = arith.constant dense<0.000000e+00> : vector<10000xf32>
    %reduce_sum3A_33 = vector.multi_reduction <add>, %integer_pow3A, %reduce_sum3A_32 [1] : vector<10000x128xf32> to vector<10000xf32>
    %broadcast_in_dim3A_34 = vector.shape_cast %reduce_sum3A_33 : vector<10000xf32> to vector<10000x1xf32>
    %div3A_35 = arith.constant 1.280000e+02 : f32
    %div3A_36 = vector.broadcast %div3A_35 : f32 to vector<10000x1xf32>
    %div3A_37 = arith.divf %broadcast_in_dim3A_34, %div3A_36 : vector<10000x1xf32>
    %sub3A_38 = vector.broadcast %div3A_30 : vector<10000x1xf32> to vector<10000x128xf32>
    %sub3A_39 = arith.subf %add3A_27, %sub3A_38 : vector<10000x128xf32>
    %add3A_40 = arith.constant 9.99999974E-6 : f32
    %add3A_41 = vector.broadcast %add3A_40 : f32 to vector<10000x1xf32>
    %add3A_42 = arith.addf %div3A_37, %add3A_41 : vector<10000x1xf32>
    %rsqrt3A_43 = math.rsqrt %add3A_42 : vector<10000x1xf32>
    %mul3A_44 = vector.broadcast %rsqrt3A_43 : vector<10000x1xf32> to vector<10000x128xf32>
    %mul3A_45 = arith.mulf %sub3A_39, %mul3A_44 : vector<10000x128xf32>
    %get3A_46 = arith.constant 0 : index
    %get3A_47 = arith.constant 0 : index
    %get3A_48 = vector.load %arg3[%get3A_46, %get3A_47] : memref<1x128xf32, #tpu.memory_space<vmem>>, vector<1x128xf32>
    %mul3A_49 = vector.broadcast %get3A_48 : vector<1x128xf32> to vector<10000x128xf32>
    %mul3A_50 = arith.mulf %mul3A_45, %mul3A_49 : vector<10000x128xf32>
    %get3A_51 = arith.constant 0 : index
    %get3A_52 = arith.constant 0 : index
    %get3A_53 = vector.load %arg4[%get3A_51, %get3A_52] : memref<1x128xf32, #tpu.memory_space<vmem>>, vector<1x128xf32>
    %add3A_54 = vector.broadcast %get3A_53 : vector<1x128xf32> to vector<10000x128xf32>
    %add3A_55 = arith.addf %mul3A_50, %add3A_54 : vector<10000x128xf32>
    %gt3A = arith.constant 0.000000e+00 : f32
    %gt3A_56 = vector.broadcast %gt3A : f32 to vector<10000x128xf32>
    %gt3A_57 = arith.cmpf ogt, %add3A_55, %gt3A_56 : vector<10000x128xf32>
    %get3A_58 = arith.constant 0 : index
    %get3A_59 = arith.constant 0 : index
    %get3A_60 = vector.load %arg5[%get3A_58, %get3A_59] : memref<1x1xf32, #tpu.memory_space<vmem>>, vector<1x1xf32>
    %get3A_61 = vector.extract %get3A_60[0, 0] : f32 from vector<1x1xf32>
    %mul3A_62 = vector.broadcast %get3A_61 : f32 to vector<10000x128xf32>
    %mul3A_63 = arith.mulf %mul3A_62, %add3A_55 : vector<10000x128xf32>
    %select_n3A = arith.select %gt3A_57, %add3A_55, %mul3A_63 : vector<10000x128xi1>, vector<10000x128xf32>
    %swap3A = arith.constant 0 : index
    %swap3A_64 = arith.constant 0 : index
    %swap3A_65 = vector.load %arg6[%swap3A, %swap3A_64] : memref<10000x128xf32, #tpu.memory_space<vmem>>, vector<10000x128xf32>
    tpu.vector_store %arg6[%swap3A, %swap3A_64], %select_n3A {strides = array<i32>} : memref<10000x128xf32, #tpu.memory_space<vmem>>, vector<10000x128xf32>,
    return
  }
}

</mosaic_0001>

<sc_bundles>
// kernel: kernel.11.cloned.1.call-start
scs
__scs_entry_jumppad:
0x0: {  	(pc) =	sbr.rel $0x88, $3  }
0x1: {  	(tag) =	ssettag $0x0;
	lr =	simm.s32 $0x1  }
0x2: {  	[smem:$0x3F95] =	sst lr;
	_ =	strace $0xD0000000  }
0x3: {  	_ = 	snop  }
0x4: {  	_ = 	snop  }
0x5: {  	_ = 	snop  }
0x6: {  	_ = 	snop  }
0x7: {  	_ = 	snop  }
__scs_overlays_trampoline_lowered:
0x8: {  	[smem:$0x3FA4] =	sst s0  }
0x9: {  	[smem:$0x3FA5] =	sst s1  }
0xa: {  	[smem:$0x3FA6] =	sst s2  }
0xb: {  	[smem:$0x3FA7] =	sst s3  }
0xc: {  	[smem:$0x3FA8] =	sst s4  }
0xd: {  	[smem:$0x3FA9] =	sst s5  }
0xe: {  	[smem:$0x3FAA] =	sst s6  }
0xf: {  	[smem:$0x3FAB] =	sst s7  }
0x10: {  	[smem:$0x3FAC] =	sst s8  }
0x11: {  	[smem:$0x3FAD] =	sst s9;
	s0 =	simm.s32 @!p0 $0x0  }
0x12: {  	s1 =	sld [smem:$0x3F93];
	s0 =	simm.s32 @p0 $0x1  }
0x13: {  	[smem:$0x3FAE] =	sst s0;
	s0 =	simm.s32 @!p1 $0x0  }
0x14: {  	s2 =	sld [smem:$0x3F92];
	s0 =	simm.s32 @p1 $0x1  }
0x15: {  	[smem:$0x3FAF] =	sst s0;
	s0 =	simm.s32 @!p2 $0x0  }
0x16: {  	s3 =	sld [smem:$0x3FDB];
	s0 =	simm.s32 @p2 $0x1  }
0x17: {  	s4 =	simm.s32 $0x1BF5;
	[smem:$0x3FB1] =	sst s0  }
0x18: {  	s0 =	sld [smem:$0x3F94];
	_ =	swait.ge [sflag:s4], $0x0  }
0x19: {  	s7 =	sld [smem:$0x3F95]  }
0x1a: {  	s8 =	sadd.s32 $0xFFFFE003, lr  }
0x1b: {  	s9 =	sadd.s32 $0xFFFFFEF7, lr;
	s5 =	simm.s32 $0xFFFFFFFF;
	p2 =	slt.u32 s8, $0xFFFFF086  }
0x1c: {  	p1 =	slt.u32 s9, $0xF7A;
	s5 =	simm.s32 @!p2 $0x0  }
0x1d: {  	s5 =	simm.s32 @p1 $0x1;
	p0 =	seq.s32 s7, s2  }
0x1e: {  	s7 =	smul.u32 @!p0 $0xF7A, s2;
	p2 =	seq.s32 @!p0 s5, $0x0  }
0x1f: {  	s9 =	smul.u32 $0xF7A, s1;
	s8 =	simm.s32 @!p0 $0x1BF5;
	p2 =	por !p2, p0  }
0x20: {  	[sflag:s8] =	ssyncset.s32 @!p0 $0xFFFFF086;
	s6 =	sadd.s32 @!p0 s3, s7;
	s7 =	simm.s32 @!p0 $0x108  }
0x21: {  	s3 =	sadd.s32 s3, s9;
	s6 =	sadd.s32 @!p0 $0x88, s6;
	s7 =	simm.s32 @p2 $0x1082  }
0x22: {  	[simem:s7], [sflag:s8] =	dma.local @!p0 [hbm:s6], $0xF7A  }
0x23: {  	s9 =	sor.u32 $0xD0000000, s2;
	s6 =	simm.s32 $0x108;
	_ =	swait.ge @!p0 [sflag:s8], $0x0  }
0x24: {  	s3 =	sadd.s32 $0x88, s3;
	s6 =	simm.s32 @!p1 $0x1082;
	[sflag:s4] =	ssyncset.s32 $0xFFFFF086  }
0x25: {  	[simem:s6], [sflag:s4] =	dma.local [hbm:s3], $0xF7A  }
0x26: {  	[smem:$0x3F95] =	sst s1;
	(tag) =	ssettag s2;
	_ =	strace s9  }
0x27: {  	s1 =	sld [smem:$0x3FA5]  }
0x28: {  	s2 =	sld [smem:$0x3FA6]  }
0x29: {  	s4 =	sld [smem:$0x3FA8]  }
0x2a: {  	p0 =	seq.s32 s5, $0x0;
	s5 =	sld [smem:$0x3FA9]  }
0x2b: {  	s6 =	sld [smem:$0x3FAA]  }
0x2c: {  	s7 =	sld [smem:$0x3FAB]  }
0x2d: {  	s3 =	simm.s32 $0x108;
	s8 =	sld [smem:$0x3FAC]  }
0x2e: {  	s3 =	simm.s32 @!p0 $0x1082;
	s9 =	sld [smem:$0x3FAD]  }
0x2f: {  	lr =	sadd.s32 s0, s3;
	s0 =	sld [smem:$0x3FA4]  }
0x30: {  	s3 =	sld [smem:$0x3FA7]  }
0x31: {  	[smem:$0x3FB0] =	sst s10  }
0x32: {  	s10 =	sld [smem:$0x3FAE];
	_ =	sdelay $0x3  }
0x33: {  	p0 =	seq.s32 s10, $0x1;
	s10 =	sld [smem:$0x3FB0];
	_ =	sdelay $0x3  }
0x34: {  	[smem:$0x3FB0] =	sst s10  }
0x35: {  	s10 =	sld [smem:$0x3FAF];
	_ =	sdelay $0x3  }
0x36: {  	p1 =	seq.s32 s10, $0x1;
	s10 =	sld [smem:$0x3FB0];
	_ =	sdelay $0x3  }
0x37: {  	[smem:$0x3FB0] =	sst s10  }
0x38: {  	s10 =	sld [smem:$0x3FB1]  }
0x39: {  	_ = 	snop;
	(pc) =	sbr.ind lr, $3  }
0x3a: {  	_ = 	snop  }
0x3b: {  	_ = 	snop  }
0x3c: {  	p2 =	seq.s32 s10, $0x1;
	s10 =	sld [smem:$0x3FB0]  }
0x3d: {  	_ =	shalt  }
0x3e: {  	_ =	shalt  }
0x3f: {  	_ =	shalt  }
0x40: {  	_ =	shalt  }
0x41: {  	_ =	shalt  }
0x42: {  	_ =	shalt  }
0x43: {  	_ =	shalt  }
0x44: {  	_ =	shalt  }
0x45: {  	_ =	shalt  }
0x46: {  	_ =	shalt  }
0x47: {  	_ =	shalt  }
0x48: {  	_ =	shalt  }
0x49: {  	_ =	shalt  }
0x4a: {  	_ =	shalt  }
0x4b: {  	_ =	shalt  }
0x4c: {  	_ =	shalt  }
0x4d: {  	_ =	shalt  }
0x4e: {  	_ =	shalt  }
0x4f: {  	_ =	shalt  }
0x50: {  	_ =	shalt  }
0x51: {  	_ =	shalt  }
0x52: {  	_ =	shalt  }
0x53: {  	_ =	shalt  }
0x54: {  	_ =	shalt  }
0x55: {  	_ =	shalt  }
0x56: {  	_ =	shalt  }
0x57: {  	_ =	shalt  }
0x58: {  	_ =	shalt  }
0x59: {  	_ =	shalt  }
0x5a: {  	_ =	shalt  }
0x5b: {  	_ =	shalt  }
0x5c: {  	_ =	shalt  }
0x5d: {  	_ =	shalt  }
0x5e: {  	_ =	shalt  }
0x5f: {  	_ =	shalt  }
0x60: {  	_ =	shalt  }
0x61: {  	_ =	shalt  }
0x62: {  	_ =	shalt  }
0x63: {  	_ =	shalt  }
0x64: {  	_ =	shalt  }
0x65: {  	_ =	shalt  }
0x66: {  	_ =	shalt  }
0x67: {  	_ =	shalt  }
0x68: {  	_ =	shalt  }
0x69: {  	_ =	shalt  }
0x6a: {  	_ =	shalt  }
0x6b: {  	_ =	shalt  }
0x6c: {  	_ =	shalt  }
0x6d: {  	_ =	shalt  }
0x6e: {  	_ =	shalt  }
0x6f: {  	_ =	shalt  }
0x70: {  	_ =	shalt  }
0x71: {  	_ =	shalt  }
0x72: {  	_ =	shalt  }
0x73: {  	_ =	shalt  }
0x74: {  	_ =	shalt  }
0x75: {  	_ =	shalt  }
0x76: {  	_ =	shalt  }
0x77: {  	_ =	shalt  }
0x78: {  	_ =	shalt  }
0x79: {  	_ =	shalt  }
0x7a: {  	_ =	shalt  }
0x7b: {  	_ =	shalt  }
0x7c: {  	_ =	shalt  }
0x7d: {  	_ =	shalt  }
0x7e: {  	_ =	shalt  }
0x7f: {  	_ =	shalt  }
0x80: {  	_ =	shalt  }
0x81: {  	_ =	shalt  }
0x82: {  	_ =	shalt  }
0x83: {  	_ =	shalt  }
0x84: {  	_ =	shalt  }
0x85: {  	_ =	shalt  }
0x86: {  	_ =	shalt  }
0x87: {  	_ =	shalt  }
.Lfunc_end0:
.L_simem_size_0:
called_computation.1_lowered:
.L_overlay_start_0:
0x88: {  	s2 =	sld [smem:$0x3FD9]  }
0x89: {  	s3 =	sld [smem:$0x3FFE];
	_ =	sdelay $0x1  }
0x8a: {  	s1 =	srdreg.scid  }
0x8b: {  	s0 =	sand.u32 $0x1, s1  }
0x8c: {  	s17 =	sshll.u32 s0, $0xA;
	s2 =	sadd.s32 s3, s2  }
0x8d: {  	s2 =	sadd.s32 s2, s17  }
0x8e: {  	[smem:$0x3FBC] =	sst s2  }
0x8f: {  	_ = 	snop  }
0x90: {  	s2 =	sld [smem:$0x3FD0];
	(tm) =	ssettm $0x1  }
0x91: {  	s18 =	sld [smem:$0x3FFB];
	_ =	sdelay $0x3  }
0x92: {  	_ =	strace s18  }
0x93: {  	s3 =	sld [smem:$0x3FFC];
	_ =	sdelay $0x3  }
0x94: {  	_ =	strace s3  }
0x95: {  	s3 =	sld [smem:$0x3FFD];
	_ =	sdelay $0x3  }
0x96: {  	_ =	strace s3  }
0x97: {  	_ =	strace $0x8FFFFFFF  }
0x98: {  	s19 =	sld [smem:$0x3FDB];
	_ =	sdelay $0x1  }
0x99: {  	s4 =	simm.s32 $_scs_section_size  }
0x9a: {  	s5 =	simm.s32 $_size__tile_overlayer_lowered;
	s6 =	simm.s32 $_tile_overlayer_lowered  }
0x9b: {  	s22 =	simm.s32 $0x1BFF;
	s21 =	sshll.u32 s6, $0x1;
	s3 =	sadd.s32 s4, s19  }
0x9c: {  	s7 =	simm.s32 $0x0;
	s20 =	sshll.u32 s5, $0x1;
	s5 =	sadd.s32 s21, s3  }
0x9d: {  	[timem:s7], [sflag:s22] =	dma.local [hbm:s5], s20  }
0x9e: {  	_ =	swait.ge [sflag:s22], s20  }
0x9f: {  	s4 =	ssub.s32 $0x0, s20;
	[sflag:s22] =	ssyncset.done $0x0  }
0xa0: {  	[sflag:s22] =	ssyncadd.s32 s4;
	_ =	sdelay $0x1  }
0xa1: {  	s23 =	simm.s32 $0x1B8B  }
0xa2: {  	_ =	swait.ge [sflag:s23], $0x1  }
0xa3: {  	[sflag:s23] =	ssyncset.done $0x0  }
0xa4: {  	s25 =	simm.s32 $0x1B8E;
	s24 =	sld [smem:$0x3FFE];
	[sflag:s23] =	ssyncadd.s32 $0xFFFFFFFF  }
0xa5: {  	s26 =	simm.s32 $execute0_lowered;
	[smem:$0x3FD2] =	sst s25  }
0xa6: {  	s5 =	sshll.u32 s26, $0x1;
	_ =	strace $0x80000049;
	[dreg:$0x1] =	wrdreg $0xFFFFFFFF  }
0xa7: {  	s28 =	simm.s32 $_size_execute0_lowered;
	s3 =	sadd.s32 s3, s5;
	[dreg:$0x0] =	wrdreg $0x0  }
0xa8: {  	s5 =	sshll.u32 s28, $0x1;
	[dreg:$0x2] =	wrdreg s3  }
0xa9: {  	[dreg:$0x3] =	wrdreg s5  }
0xaa: {  	[dreg:$0x4] =	wrdreg $0xC0  }
0xab: {  	_ =	task [dreg:s7], $0x5FFFF  }
0xac: {  	[dreg:$0x1] =	wrdreg $0xFFFFFFFF  }
0xad: {  	[dreg:$0x0] =	wrdreg $0x60  }
0xae: {  	[dreg:$0x2] =	wrdreg s24  }
0xaf: {  	[dreg:$0x3] =	wrdreg s2  }
0xb0: {  	[dreg:$0x4] =	wrdreg $0xA8000  }
0xb1: {  	[dreg:$0x5] =	wrdreg $0x9  }
0xb2: {  	_ =	task.clear_ibuf [dreg:s7], $0x6FFFF;
	_ =	strace $0x90000049  }
0xb3: {  	s29 =	simm.s32 $0x9;
	_ =	strace $0x8000004B  }
0xb4: {  	_ =	swait.ge [sflag:s29], $0x1  }
0xb5: {  	[sflag:s29] =	ssyncadd.s32 $0xFFFFFFFF  }
0xb6: {  	_ =	strace $0x9000004B  }
0xb7: {  	_ =	sfence  }
0xb8: {  	s30 =	sld [smem:$0x0];
	_ =	sdelay $0x2  }
0xb9: {  	s31 =	sshll.u32 s1, $0xD;
	s1 =	sshrl.u32 s1, $0x2  }
0xba: {  	s3 =	sand.u32 $0x4000, s31;
	s1 =	sadd.s32 s1, s30  }
0xbb: {  	s0 =	sor.u32 s3, s0;
	s1 =	sshll.u32 s1, $0x11  }
0xbc: {  	s0 =	sor.u32 s1, s0  }
0xbd: {  	s0 =	sadd.s32 $0x8F2B, s0  }
0xbe: {  	[sflag:s0] =	ssyncadd.remote.s32 $0x1  }
0xbf: {  	_ =	sfence.sel $0xFFFF  }
0xc0: {  	[dreg:$0x0] =	wrdreg $0xFFFFFFFF;
	(pc) =	sbr.abs _section_cstart, $3  }
0xc1: {  	[dreg:$0x1] =	wrdreg $0xFFFFFFFF  }
0xc2: {  	_ =	task.clear_ibuf [dreg:s7], $0x2FFFF;
	_ =	strace $0x9FFFFFFF  }
0xc3: {  	(tm) =	ssettm $0x7FFFFFFF  }
tec
execute0_lowered:
.L_overlay_start_1:
0x0: {  	(tag) =	ssettag $0x1  }
0x1: {  	s6 =	rddreg [dreg:$0x0]  }
0x2: {  	s10 =	rddreg [dreg:$0x1]  }
0x3: {  	s1 =	rddreg [dreg:$0x2];
	s2 =	srdreg.scid  }
0x4: {  	s0 =	rddreg [dreg:$0x3];
	s3 =	simm.s32 $0x0;
	s15 =	simm.s32 $0x1400  }
0x5: {  	s16 =	simm.s32 $0x80;
	s17 =	simm.s32 $0x2800;
	s18 =	simm.s32 $0x6800  }
0x6: {  	s19 =	simm.s32 $0x1;
	s20 =	simm.s32 $0x2;
	s21 =	simm.s32 $0x0  }
0x7: {  	s5 =	sand.u32 $0x1, s2;
	s2 =	stileid.u32;
	[smem:$0x7FF] =	sst s3  }
0x8: {  	s4 =	sadd.s32 $0x5FC00, s6;
	s9 =	sadd.s32 $0x3400, s6;
	s7 =	smul.u32 $0x13C000, s5  }
0x9: {  	s8 =	smul.u32 $0x13C00, s2;
	_ =	strace $0x8000004A;
	s23 =	sshll.u32 s5, $0x4  }
0xa: {  	s11 =	ssub.s32 $0x2, s5;
	s25 =	smul.u32 $0x4F000, s2;
	s5 =	sadd.s32 $0xE400, s6  }
0xb: {  	s28 =	sshll.u32 s2, $0x6;
	s24 =	sor.u32 s2, s23;
	s12 =	sshrl.u32 s11, $0x1  }
0xc: {  	s7 =	sadd.s32 s8, s7;
	s13 =	smul.u32 $0x2800, s24;
	s26 =	sshrl.u32 s25, $0x2  }
0xd: {  	s12 =	ssub.s32 s11, s12;
	s7 =	sshrl.u32 s7, $0x3;
	s30 =	sadd.s32 s26, s1  }
0xe: {  	s12 =	smax.u32 s12, $0x1;
	s14 =	sadd.s32 s7, s6;
	s29 =	sshrl.u32 s13, $0x3  }
0xf: {  	s6 =	sor.u32 $0x1C03, s28;
	s13 =	sshrl.u32 s30, $0x3;
	s31 =	sadd.s32 $0x280, s29  }
0x10: {  	s7 =	sadd.s32 s9, s29;
	s8 =	sadd.s32 s10, s29;
	s11 =	sadd.s32 $0x87400, s14  }
0x11: {  	s14 =	simm.s32 $0x3;
	s9 =	sadd.s32 s9, s31;
	s10 =	sadd.s32 s10, s31  }
.LBB2_1:
0x12: {  	[spmem:s13], [sflag:s6] =	dma.local [hbm:s5], $0x2780  }
0x13: {  	_ =	swait.ge [sflag:s14], $0x2780  }
0x14: {  	[sflag:s14] =	ssyncset.done $0x0  }
0x15: {  	[sflag:s14] =	ssyncadd.s32 $0xFFFFD880  }
0x16: {  	[bflag:$0x0] =	sbarrier.arrive $0xFFFF  }
0x17: {  	[tilespmem:s3], [sflag:$0x3] =	stream.linear.gather [hbm4b:s7+s3], $0x1400, $0x38;
	[tilespmem:$0x1E400] =	vst v63  }
0x18: {  	_ =	swait.ge [sflag:s14], $0x1400  }
0x19: {  	[sflag:s14] =	ssyncset.done $0x0  }
0x1a: {  	[sflag:s14] =	ssyncadd.s32 $0xFFFFEC00  }
0x1b: {  	[tilespmem:s15], [sflag:$0x3] =	stream.linear.gather [hbm4b:s8+s3], $0x1400, $0x38;
	[tilespmem:$0x1E400] =	vst v63  }
0x1c: {  	_ =	swait.ge [sflag:s14], $0x1400  }
0x1d: {  	[sflag:s14] =	ssyncset.done $0x0  }
0x1e: {  	s22 =	simm.s32 $0x0;
	[sflag:s14] =	ssyncadd.s32 $0xFFFFEC00  }
0x1f: {  	[tilespmem:s17], [sflag:$0x1] =	stream.indirect.gather [hbm4b:s4+s16], $0x80, s22, s16, $0xb8;
	[tilespmem:$0x1E400] =	vst v63  }
0x20: {  	s29 =	simm.s32 $0x80  }
0x21: {  	[tilespmem:s18], [sflag:$0x2] =	stream.indirect.gather [hbm4b:s4+s16], $0x80, s29, s16, $0xb8;
	[tilespmem:$0x1E400] =	vst v63  }
0x22: {  	_ =	swait.ge [sflag:s19], $0x4000  }
0x23: {  	[sflag:s19] =	ssyncset.done $0x0  }
0x24: {  	s30 =	simm.s32 $0x1400;
	[sflag:s19] =	ssyncadd.s32 $0xFFFFC000  }
0x25: {  	[spmem:s1] =	stream.indirect.scatter.add.f32 [tilespmem:s17], [sflag:$0x3], $0x80, s30, s16, $0xb8;
	[tilespmem:$0x1E400] =	vst v63  }
0x26: {  	_ =	swait.ge [sflag:s14], $0x4000  }
0x27: {  	[sflag:s14] =	ssyncset.done $0x0  }
0x28: {  	[sflag:s14] =	ssyncadd.s32 $0xFFFFC000  }
0x29: {  	_ =	swait.ge [sflag:s20], $0x4000  }
0x2a: {  	[sflag:s20] =	ssyncset.done $0x0  }
0x2b: {  	s31 =	simm.s32 $0x1480;
	[sflag:s20] =	ssyncadd.s32 $0xFFFFC000  }
0x2c: {  	[spmem:s1] =	stream.indirect.scatter.add.f32 [tilespmem:s18], [sflag:$0x3], $0x80, s31, s16, $0xb8;
	[tilespmem:$0x1E400] =	vst v63  }
0x2d: {  	_ =	swait.ge [sflag:s14], $0x4000  }
0x2e: {  	s23 =	simm.s32 $0x800;
	s22 =	simm.s32 $0x400;
	[sflag:s14] =	ssyncset.done $0x0  }
.LBB2_2:
0x2f: {  	s24 =	sshra.s32 s22, $0x2  }
0x30: {  	[sflag:s14] =	ssyncadd.s32 $0xFFFFC000;
	s22 =	smov.u32 s23;
	s25 =	sadd.s32 $0x400, s23  }
0x31: {  	[tilespmem:s17], [sflag:$0x1] =	stream.indirect.gather [hbm4b:s4+s16], $0x80, s24, s16, $0xb8;
	[tilespmem:$0x1E400] =	vst v63  }
0x32: {  	p0 =	sne.s32 s23, $0x4C00;
	s23 =	sadd.s32 $0x80, s24  }
0x33: {  	[tilespmem:s18], [sflag:$0x2] =	stream.indirect.gather [hbm4b:s4+s16], $0x80, s23, s16, $0xb8;
	[tilespmem:$0x1E400] =	vst v63  }
0x34: {  	_ =	swait.ge [sflag:s19], $0x4000  }
0x35: {  	[sflag:s19] =	ssyncset.done $0x0  }
0x36: {  	s23 =	sadd.s32 $0x1400, s24;
	[sflag:s19] =	ssyncadd.s32 $0xFFFFC000  }
0x37: {  	[spmem:s1] =	stream.indirect.scatter.add.f32 [tilespmem:s17], [sflag:$0x3], $0x80, s23, s16, $0xb8;
	[tilespmem:$0x1E400] =	vst v63  }
0x38: {  	_ =	swait.ge [sflag:s14], $0x4000  }
0x39: {  	[sflag:s14] =	ssyncset.done $0x0  }
0x3a: {  	[sflag:s14] =	ssyncadd.s32 $0xFFFFC000  }
0x3b: {  	_ =	swait.ge [sflag:s20], $0x4000  }
.Ltmp0:
0x3c: {  	[sflag:s20] =	ssyncset.done $0x0;
	(pc) =	sbr.rel @p0 .LBB2_2-.Ltmp0, $4  }
0x3d: {  	s23 =	sadd.s32 $0x1480, s24;
	[sflag:s20] =	ssyncadd.s32 $0xFFFFC000  }
0x3e: {  	[spmem:s1] =	stream.indirect.scatter.add.f32 [tilespmem:s18], [sflag:$0x3], $0x80, s23, s16, $0xb8;
	[tilespmem:$0x1E400] =	vst v63  }
0x3f: {  	_ =	swait.ge [sflag:s14], $0x4000  }
0x40: {  	s23 =	smov.u32 s25;
	[sflag:s14] =	ssyncset.done $0x0  }
0x41: {  	s22 =	sshra.s32 s22, $0x2;
	[sflag:s14] =	ssyncadd.s32 $0xFFFFC000  }
0x42: {  	[tilespmem:s17], [sflag:$0x1] =	stream.indirect.gather [hbm4b:s4+s16], $0x80, s22, s16, $0xb8;
	[tilespmem:$0x1E400] =	vst v63  }
0x43: {  	s23 =	sadd.s32 $0x80, s22  }
0x44: {  	[tilespmem:s18], [sflag:$0x2] =	stream.indirect.gather [hbm4b:s4+s16], $0x80, s23, s16, $0xb8;
	[tilespmem:$0x1E400] =	vst v63  }
0x45: {  	_ =	swait.ge [sflag:s19], $0x4000  }
0x46: {  	[sflag:s19] =	ssyncset.done $0x0  }
0x47: {  	s25 =	sadd.s32 $0x1400, s22;
	[sflag:s19] =	ssyncadd.s32 $0xFFFFC000  }
0x48: {  	[spmem:s1] =	stream.indirect.scatter.add.f32 [tilespmem:s17], [sflag:$0x3], $0x80, s25, s16, $0xb8;
	[tilespmem:$0x1E400] =	vst v63  }
0x49: {  	_ =	swait.ge [sflag:s14], $0x4000  }
0x4a: {  	[sflag:s14] =	ssyncset.done $0x0  }
0x4b: {  	[sflag:s14] =	ssyncadd.s32 $0xFFFFC000  }
0x4c: {  	_ =	swait.ge [sflag:s20], $0x4000  }
0x4d: {  	[sflag:s20] =	ssyncset.done $0x0  }
0x4e: {  	s22 =	sadd.s32 $0x1480, s22;
	[sflag:s20] =	ssyncadd.s32 $0xFFFFC000  }
0x4f: {  	[spmem:s1] =	stream.indirect.scatter.add.f32 [tilespmem:s18], [sflag:$0x3], $0x80, s22, s16, $0xb8;
	[tilespmem:$0x1E400] =	vst v63  }
0x50: {  	_ =	swait.ge [sflag:s14], $0x4000  }
0x51: {  	[sflag:s14] =	ssyncset.done $0x0  }
0x52: {  	s26 =	simm.s32 $0x0;
	[sflag:s14] =	ssyncadd.s32 $0xFFFFC000  }
0x53: {  	[tilespmem:s26], [sflag:$0x3] =	stream.linear.gather [hbm4b:s9+s26], $0x1400, $0x38;
	[tilespmem:$0x1E400] =	vst v63  }
0x54: {  	_ =	swait.ge [sflag:s14], $0x1400  }
0x55: {  	[sflag:s14] =	ssyncset.done $0x0  }
0x56: {  	[sflag:s14] =	ssyncadd.s32 $0xFFFFEC00  }
0x57: {  	[tilespmem:s15], [sflag:$0x3] =	stream.linear.gather [hbm4b:s10+s26], $0x1400, $0x38;
	[tilespmem:$0x1E400] =	vst v63  }
0x58: {  	_ =	swait.ge [sflag:s14], $0x1400  }
0x59: {  	[sflag:s14] =	ssyncset.done $0x0  }
0x5a: {  	s28 =	simm.s32 $0x0;
	[sflag:s14] =	ssyncadd.s32 $0xFFFFEC00  }
0x5b: {  	[tilespmem:s17], [sflag:$0x1] =	stream.indirect.gather [hbm4b:s4+s16], $0x80, s28, s16, $0xb8;
	[tilespmem:$0x1E400] =	vst v63  }
0x5c: {  	s29 =	simm.s32 $0x80  }
0x5d: {  	[tilespmem:s18], [sflag:$0x2] =	stream.indirect.gather [hbm4b:s4+s16], $0x80, s29, s16, $0xb8;
	[tilespmem:$0x1E400] =	vst v63  }
0x5e: {  	_ =	swait.ge [sflag:s19], $0x4000  }
0x5f: {  	[sflag:s19] =	ssyncset.done $0x0  }
0x60: {  	s30 =	simm.s32 $0x1400;
	[sflag:s19] =	ssyncadd.s32 $0xFFFFC000  }
0x61: {  	[spmem:s1] =	stream.indirect.scatter.add.f32 [tilespmem:s17], [sflag:$0x3], $0x80, s30, s16, $0xb8;
	[tilespmem:$0x1E400] =	vst v63  }
0x62: {  	_ =	swait.ge [sflag:s14], $0x4000  }
0x63: {  	[sflag:s14] =	ssyncset.done $0x0  }
0x64: {  	[sflag:s14] =	ssyncadd.s32 $0xFFFFC000  }
0x65: {  	_ =	swait.ge [sflag:s20], $0x4000  }
0x66: {  	[sflag:s20] =	ssyncset.done $0x0  }
0x67: {  	s31 =	simm.s32 $0x1480;
	[sflag:s20] =	ssyncadd.s32 $0xFFFFC000  }
0x68: {  	[spmem:s1] =	stream.indirect.scatter.add.f32 [tilespmem:s18], [sflag:$0x3], $0x80, s31, s16, $0xb8;
	[tilespmem:$0x1E400] =	vst v63  }
0x69: {  	_ =	swait.ge [sflag:s14], $0x4000  }
0x6a: {  	s23 =	simm.s32 $0x800;
	s22 =	simm.s32 $0x400;
	[sflag:s14] =	ssyncset.done $0x0  }
.LBB2_4:
0x6b: {  	s24 =	sshra.s32 s22, $0x2  }
0x6c: {  	[sflag:s14] =	ssyncadd.s32 $0xFFFFC000;
	s22 =	smov.u32 s23;
	s25 =	sadd.s32 $0x400, s23  }
0x6d: {  	[tilespmem:s17], [sflag:$0x1] =	stream.indirect.gather [hbm4b:s4+s16], $0x80, s24, s16, $0xb8;
	[tilespmem:$0x1E400] =	vst v63  }
0x6e: {  	p0 =	sne.s32 s23, $0x4C00;
	s23 =	sadd.s32 $0x80, s24  }
0x6f: {  	[tilespmem:s18], [sflag:$0x2] =	stream.indirect.gather [hbm4b:s4+s16], $0x80, s23, s16, $0xb8;
	[tilespmem:$0x1E400] =	vst v63  }
0x70: {  	_ =	swait.ge [sflag:s19], $0x4000  }
0x71: {  	[sflag:s19] =	ssyncset.done $0x0  }
0x72: {  	s23 =	sadd.s32 $0x1400, s24;
	[sflag:s19] =	ssyncadd.s32 $0xFFFFC000  }
0x73: {  	[spmem:s1] =	stream.indirect.scatter.add.f32 [tilespmem:s17], [sflag:$0x3], $0x80, s23, s16, $0xb8;
	[tilespmem:$0x1E400] =	vst v63  }
0x74: {  	_ =	swait.ge [sflag:s14], $0x4000  }
0x75: {  	[sflag:s14] =	ssyncset.done $0x0  }
0x76: {  	[sflag:s14] =	ssyncadd.s32 $0xFFFFC000  }
0x77: {  	_ =	swait.ge [sflag:s20], $0x4000  }
.Ltmp1:
0x78: {  	[sflag:s20] =	ssyncset.done $0x0;
	(pc) =	sbr.rel @p0 .LBB2_4-.Ltmp1, $4  }
0x79: {  	s23 =	sadd.s32 $0x1480, s24;
	[sflag:s20] =	ssyncadd.s32 $0xFFFFC000  }
0x7a: {  	[spmem:s1] =	stream.indirect.scatter.add.f32 [tilespmem:s18], [sflag:$0x3], $0x80, s23, s16, $0xb8;
	[tilespmem:$0x1E400] =	vst v63  }
0x7b: {  	_ =	swait.ge [sflag:s14], $0x4000  }
0x7c: {  	s23 =	smov.u32 s25;
	[sflag:s14] =	ssyncset.done $0x0  }
0x7d: {  	s22 =	sshra.s32 s22, $0x2;
	[sflag:s14] =	ssyncadd.s32 $0xFFFFC000  }
0x7e: {  	[tilespmem:s17], [sflag:$0x1] =	stream.indirect.gather [hbm4b:s4+s16], $0x80, s22, s16, $0xb8;
	[tilespmem:$0x1E400] =	vst v63  }
0x7f: {  	s23 =	sadd.s32 $0x80, s22  }
0x80: {  	[tilespmem:s18], [sflag:$0x2] =	stream.indirect.gather [hbm4b:s4+s16], $0x80, s23, s16, $0xb8;
	[tilespmem:$0x1E400] =	vst v63  }
0x81: {  	_ =	swait.ge [sflag:s19], $0x4000  }
0x82: {  	[sflag:s19] =	ssyncset.done $0x0  }
0x83: {  	s31 =	sadd.s32 $0x1400, s22;
	[sflag:s19] =	ssyncadd.s32 $0xFFFFC000  }
0x84: {  	[spmem:s1] =	stream.indirect.scatter.add.f32 [tilespmem:s17], [sflag:$0x3], $0x80, s31, s16, $0xb8;
	[tilespmem:$0x1E400] =	vst v63  }
0x85: {  	_ =	swait.ge [sflag:s14], $0x4000  }
0x86: {  	[sflag:s14] =	ssyncset.done $0x0  }
0x87: {  	[sflag:s14] =	ssyncadd.s32 $0xFFFFC000  }
0x88: {  	_ =	swait.ge [sflag:s20], $0x4000  }
0x89: {  	[sflag:s20] =	ssyncset.done $0x0  }
0x8a: {  	s22 =	sadd.s32 $0x1480, s22;
	[sflag:s20] =	ssyncadd.s32 $0xFFFFC000  }
0x8b: {  	[spmem:s1] =	stream.indirect.scatter.add.f32 [tilespmem:s18], [sflag:$0x3], $0x80, s22, s16, $0xb8;
	[tilespmem:$0x1E400] =	vst v63  }
0x8c: {  	_ =	swait.ge [sflag:s14], $0x4000  }
0x8d: {  	s21 =	sadd.s32 $0x1, s21;
	[sflag:s14] =	ssyncset.done $0x0  }
0x8e: {  	p0 =	sne.s32 s21, s12;
	[sflag:s14] =	ssyncadd.s32 $0xFFFFC000  }
.Ltmp2:
0x8f: {  	[bflag:$0x0] =	sbarrier.arrive $0xFFFF;
	(pc) =	sbr.rel @p0 .LBB2_1-.Ltmp2, $4  }
0x90: {  	[hbm:s11], [sflag:s6] =	dma.local [spmem:s13], $0x2780  }
0x91: {  	_ =	swait.ge [sflag:s14], $0x2780  }
0x92: {  	[sflag:s14] =	ssyncset.done $0x0  }
0x93: {  	[sflag:s14] =	ssyncadd.s32 $0xFFFFD880  }
0x94: {  	_ =	sfence.sel $0x180000  }
0x95: {  	[bflag:$0x0] =	sbarrier.arrive $0xFFFF  }
0x96: {  	p0 =	sne.s32 s2, $0x0;
	_ =	strace $0x9000004A  }
0x97: {  	s0 =	sadd.s32 @!p0 $0x100000, s0;
	[bflag:$0x2] =	sbarrier.arrive $0xFFFF  }
0x98: {  	[sflag:s0] =	ssyncadd.tile.s32 @!p0 $0x1;
	_ =	shalt  }
.Lfunc_end2:
_tile_overlayer_lowered:
.L_overlay_start_2:
0x99: {  	(tag) =	ssettag $0x2  }
0x9a: {  	s0 =	rddreg [dreg:$0x0];
	s2 =	stileid.u32  }
0x9b: {  	s1 =	rddreg [dreg:$0x1];
	p0 =	sne.s32 s2, $0x0  }
0x9c: {  	s3 =	rddreg [dreg:$0x2];
	[bflag:$0x3] =	sbarrier.arrive $0xFFFF;
	s2 =	simm.s32 @!p0 $0x1C03  }
0x9d: {  	[timem:s3], [sflag:s2] =	dma.local @!p0 [hbm:s0], s1  }
0x9e: {  	s0 =	simm.s32 @!p0 $0x3  }
0x9f: {  	_ =	swait.ge @!p0 [sflag:s0], s1  }
0xa0: {  	s1 =	ssub.s32 @!p0 $0x0, s1;
	[sflag:s0] =	ssyncset.done @!p0 $0x0  }
0xa1: {  	[sflag:s0] =	ssyncadd.s32 @!p0 s1  }
0xa2: {  	[bflag:$0x3] =	sbarrier.arrive $0xFFFF  }
0xa3: {  	_ =	shalt  }

// kernel: kernel.14.cloned.1.call-start
scs
__scs_entry_jumppad:
0x0: {  	(pc) =	sbr.rel $0x88, $3  }
0x1: {  	(tag) =	ssettag $0x0;
	lr =	simm.s32 $0x1  }
0x2: {  	[smem:$0x3F95] =	sst lr;
	_ =	strace $0xD0000000  }
0x3: {  	_ = 	snop  }
0x4: {  	_ = 	snop  }
0x5: {  	_ = 	snop  }
0x6: {  	_ = 	snop  }
0x7: {  	_ = 	snop  }
__scs_overlays_trampoline_lowered:
0x8: {  	[smem:$0x3FA4] =	sst s0  }
0x9: {  	[smem:$0x3FA5] =	sst s1  }
0xa: {  	[smem:$0x3FA6] =	sst s2  }
0xb: {  	[smem:$0x3FA7] =	sst s3  }
0xc: {  	[smem:$0x3FA8] =	sst s4  }
0xd: {  	[smem:$0x3FA9] =	sst s5  }
0xe: {  	[smem:$0x3FAA] =	sst s6  }
0xf: {  	[smem:$0x3FAB] =	sst s7  }
0x10: {  	[smem:$0x3FAC] =	sst s8  }
0x11: {  	[smem:$0x3FAD] =	sst s9;
	s0 =	simm.s32 @!p0 $0x0  }
0x12: {  	s1 =	sld [smem:$0x3F93];
	s0 =	simm.s32 @p0 $0x1  }
0x13: {  	[smem:$0x3FAE] =	sst s0;
	s0 =	simm.s32 @!p1 $0x0  }
0x14: {  	s2 =	sld [smem:$0x3F92];
	s0 =	simm.s32 @p1 $0x1  }
0x15: {  	[smem:$0x3FAF] =	sst s0;
	s0 =	simm.s32 @!p2 $0x0  }
0x16: {  	s3 =	sld [smem:$0x3FDB];
	s0 =	simm.s32 @p2 $0x1  }
0x17: {  	s4 =	simm.s32 $0x1BF5;
	[smem:$0x3FB1] =	sst s0  }
0x18: {  	s0 =	sld [smem:$0x3F94];
	_ =	swait.ge [sflag:s4], $0x0  }
0x19: {  	s7 =	sld [smem:$0x3F95]  }
0x1a: {  	s8 =	sadd.s32 $0xFFFFE003, lr  }
0x1b: {  	s9 =	sadd.s32 $0xFFFFFEF7, lr;
	s5 =	simm.s32 $0xFFFFFFFF;
	p2 =	slt.u32 s8, $0xFFFFF086  }
0x1c: {  	p1 =	slt.u32 s9, $0xF7A;
	s5 =	simm.s32 @!p2 $0x0  }
0x1d: {  	s5 =	simm.s32 @p1 $0x1;
	p0 =	seq.s32 s7, s2  }
0x1e: {  	s7 =	smul.u32 @!p0 $0xF7A, s2;
	p2 =	seq.s32 @!p0 s5, $0x0  }
0x1f: {  	s9 =	smul.u32 $0xF7A, s1;
	s8 =	simm.s32 @!p0 $0x1BF5;
	p2 =	por !p2, p0  }
0x20: {  	[sflag:s8] =	ssyncset.s32 @!p0 $0xFFFFF086;
	s6 =	sadd.s32 @!p0 s3, s7;
	s7 =	simm.s32 @!p0 $0x108  }
0x21: {  	s3 =	sadd.s32 s3, s9;
	s6 =	sadd.s32 @!p0 $0x88, s6;
	s7 =	simm.s32 @p2 $0x1082  }
0x22: {  	[simem:s7], [sflag:s8] =	dma.local @!p0 [hbm:s6], $0xF7A  }
0x23: {  	s9 =	sor.u32 $0xD0000000, s2;
	s6 =	simm.s32 $0x108;
	_ =	swait.ge @!p0 [sflag:s8], $0x0  }
0x24: {  	s3 =	sadd.s32 $0x88, s3;
	s6 =	simm.s32 @!p1 $0x1082;
	[sflag:s4] =	ssyncset.s32 $0xFFFFF086  }
0x25: {  	[simem:s6], [sflag:s4] =	dma.local [hbm:s3], $0xF7A  }
0x26: {  	[smem:$0x3F95] =	sst s1;
	(tag) =	ssettag s2;
	_ =	strace s9  }
0x27: {  	s1 =	sld [smem:$0x3FA5]  }
0x28: {  	s2 =	sld [smem:$0x3FA6]  }
0x29: {  	s4 =	sld [smem:$0x3FA8]  }
0x2a: {  	p0 =	seq.s32 s5, $0x0;
	s5 =	sld [smem:$0x3FA9]  }
0x2b: {  	s6 =	sld [smem:$0x3FAA]  }
0x2c: {  	s7 =	sld [smem:$0x3FAB]  }
0x2d: {  	s3 =	simm.s32 $0x108;
	s8 =	sld [smem:$0x3FAC]  }
0x2e: {  	s3 =	simm.s32 @!p0 $0x1082;
	s9 =	sld [smem:$0x3FAD]  }
0x2f: {  	lr =	sadd.s32 s0, s3;
	s0 =	sld [smem:$0x3FA4]  }
0x30: {  	s3 =	sld [smem:$0x3FA7]  }
0x31: {  	[smem:$0x3FB0] =	sst s10  }
0x32: {  	s10 =	sld [smem:$0x3FAE];
	_ =	sdelay $0x3  }
0x33: {  	p0 =	seq.s32 s10, $0x1;
	s10 =	sld [smem:$0x3FB0];
	_ =	sdelay $0x3  }
0x34: {  	[smem:$0x3FB0] =	sst s10  }
0x35: {  	s10 =	sld [smem:$0x3FAF];
	_ =	sdelay $0x3  }
0x36: {  	p1 =	seq.s32 s10, $0x1;
	s10 =	sld [smem:$0x3FB0];
	_ =	sdelay $0x3  }
0x37: {  	[smem:$0x3FB0] =	sst s10  }
0x38: {  	s10 =	sld [smem:$0x3FB1]  }
0x39: {  	_ = 	snop;
	(pc) =	sbr.ind lr, $3  }
0x3a: {  	_ = 	snop  }
0x3b: {  	_ = 	snop  }
0x3c: {  	p2 =	seq.s32 s10, $0x1;
	s10 =	sld [smem:$0x3FB0]  }
0x3d: {  	_ =	shalt  }
0x3e: {  	_ =	shalt  }
0x3f: {  	_ =	shalt  }
0x40: {  	_ =	shalt  }
0x41: {  	_ =	shalt  }
0x42: {  	_ =	shalt  }
0x43: {  	_ =	shalt  }
0x44: {  	_ =	shalt  }
0x45: {  	_ =	shalt  }
0x46: {  	_ =	shalt  }
0x47: {  	_ =	shalt  }
0x48: {  	_ =	shalt  }
0x49: {  	_ =	shalt  }
0x4a: {  	_ =	shalt  }
0x4b: {  	_ =	shalt  }
0x4c: {  	_ =	shalt  }
0x4d: {  	_ =	shalt  }
0x4e: {  	_ =	shalt  }
0x4f: {  	_ =	shalt  }
0x50: {  	_ =	shalt  }
0x51: {  	_ =	shalt  }
0x52: {  	_ =	shalt  }
0x53: {  	_ =	shalt  }
0x54: {  	_ =	shalt  }
0x55: {  	_ =	shalt  }
0x56: {  	_ =	shalt  }
0x57: {  	_ =	shalt  }
0x58: {  	_ =	shalt  }
0x59: {  	_ =	shalt  }
0x5a: {  	_ =	shalt  }
0x5b: {  	_ =	shalt  }
0x5c: {  	_ =	shalt  }
0x5d: {  	_ =	shalt  }
0x5e: {  	_ =	shalt  }
0x5f: {  	_ =	shalt  }
0x60: {  	_ =	shalt  }
0x61: {  	_ =	shalt  }
0x62: {  	_ =	shalt  }
0x63: {  	_ =	shalt  }
0x64: {  	_ =	shalt  }
0x65: {  	_ =	shalt  }
0x66: {  	_ =	shalt  }
0x67: {  	_ =	shalt  }
0x68: {  	_ =	shalt  }
0x69: {  	_ =	shalt  }
0x6a: {  	_ =	shalt  }
0x6b: {  	_ =	shalt  }
0x6c: {  	_ =	shalt  }
0x6d: {  	_ =	shalt  }
0x6e: {  	_ =	shalt  }
0x6f: {  	_ =	shalt  }
0x70: {  	_ =	shalt  }
0x71: {  	_ =	shalt  }
0x72: {  	_ =	shalt  }
0x73: {  	_ =	shalt  }
0x74: {  	_ =	shalt  }
0x75: {  	_ =	shalt  }
0x76: {  	_ =	shalt  }
0x77: {  	_ =	shalt  }
0x78: {  	_ =	shalt  }
0x79: {  	_ =	shalt  }
0x7a: {  	_ =	shalt  }
0x7b: {  	_ =	shalt  }
0x7c: {  	_ =	shalt  }
0x7d: {  	_ =	shalt  }
0x7e: {  	_ =	shalt  }
0x7f: {  	_ =	shalt  }
0x80: {  	_ =	shalt  }
0x81: {  	_ =	shalt  }
0x82: {  	_ =	shalt  }
0x83: {  	_ =	shalt  }
0x84: {  	_ =	shalt  }
0x85: {  	_ =	shalt  }
0x86: {  	_ =	shalt  }
0x87: {  	_ =	shalt  }
.Lfunc_end0:
.L_simem_size_0:
called_computation.2_lowered:
.L_overlay_start_0:
0x88: {  	s2 =	sld [smem:$0x3FD9]  }
0x89: {  	s3 =	sld [smem:$0x3FFE];
	_ =	sdelay $0x1  }
0x8a: {  	s1 =	srdreg.scid  }
0x8b: {  	s0 =	sand.u32 $0x1, s1  }
0x8c: {  	s17 =	sshll.u32 s0, $0xA;
	s2 =	sadd.s32 s3, s2  }
0x8d: {  	s2 =	sadd.s32 s2, s17  }
0x8e: {  	[smem:$0x3FBC] =	sst s2  }
0x8f: {  	_ = 	snop  }
0x90: {  	s2 =	sld [smem:$0x3FD0];
	(tm) =	ssettm $0x1  }
0x91: {  	s18 =	sld [smem:$0x3FFB];
	_ =	sdelay $0x3  }
0x92: {  	_ =	strace s18  }
0x93: {  	s3 =	sld [smem:$0x3FFC];
	_ =	sdelay $0x3  }
0x94: {  	_ =	strace s3  }
0x95: {  	s3 =	sld [smem:$0x3FFD];
	_ =	sdelay $0x3  }
0x96: {  	_ =	strace s3  }
0x97: {  	_ =	strace $0x8FFFFFFF  }
0x98: {  	s19 =	sld [smem:$0x3FDB];
	_ =	sdelay $0x1  }
0x99: {  	s4 =	simm.s32 $_scs_section_size  }
0x9a: {  	s5 =	simm.s32 $_size__tile_overlayer_lowered;
	s6 =	simm.s32 $_tile_overlayer_lowered  }
0x9b: {  	s22 =	simm.s32 $0x1BFF;
	s21 =	sshll.u32 s6, $0x1;
	s3 =	sadd.s32 s4, s19  }
0x9c: {  	s7 =	simm.s32 $0x0;
	s20 =	sshll.u32 s5, $0x1;
	s5 =	sadd.s32 s21, s3  }
0x9d: {  	[timem:s7], [sflag:s22] =	dma.local [hbm:s5], s20  }
0x9e: {  	_ =	swait.ge [sflag:s22], s20  }
0x9f: {  	s4 =	ssub.s32 $0x0, s20;
	[sflag:s22] =	ssyncset.done $0x0  }
0xa0: {  	[sflag:s22] =	ssyncadd.s32 s4;
	_ =	sdelay $0x1  }
0xa1: {  	s23 =	simm.s32 $0x1B8B  }
0xa2: {  	_ =	swait.ge [sflag:s23], $0x1  }
0xa3: {  	[sflag:s23] =	ssyncset.done $0x0  }
0xa4: {  	s25 =	simm.s32 $0x1B8E;
	s24 =	sld [smem:$0x3FFE];
	[sflag:s23] =	ssyncadd.s32 $0xFFFFFFFF  }
0xa5: {  	s26 =	simm.s32 $execute0_lowered;
	[smem:$0x3FD2] =	sst s25  }
0xa6: {  	s5 =	sshll.u32 s26, $0x1;
	_ =	strace $0x8000004C;
	[dreg:$0x1] =	wrdreg $0xFFFFFFFF  }
0xa7: {  	s28 =	simm.s32 $_size_execute0_lowered;
	s3 =	sadd.s32 s3, s5;
	[dreg:$0x0] =	wrdreg $0x0  }
0xa8: {  	s5 =	sshll.u32 s28, $0x1;
	[dreg:$0x2] =	wrdreg s3  }
0xa9: {  	[dreg:$0x3] =	wrdreg s5  }
0xaa: {  	[dreg:$0x4] =	wrdreg $0xC0  }
0xab: {  	_ =	task [dreg:s7], $0x5FFFF  }
0xac: {  	[dreg:$0x1] =	wrdreg $0xFFFFFFFF  }
0xad: {  	[dreg:$0x0] =	wrdreg $0x60  }
0xae: {  	[dreg:$0x2] =	wrdreg s24  }
0xaf: {  	[dreg:$0x3] =	wrdreg s2  }
0xb0: {  	[dreg:$0x4] =	wrdreg $0xA8000  }
0xb1: {  	[dreg:$0x5] =	wrdreg $0x9  }
0xb2: {  	_ =	task.clear_ibuf [dreg:s7], $0x6FFFF;
	_ =	strace $0x9000004C  }
0xb3: {  	s29 =	simm.s32 $0x9;
	_ =	strace $0x8000004E  }
0xb4: {  	_ =	swait.ge [sflag:s29], $0x1  }
0xb5: {  	[sflag:s29] =	ssyncadd.s32 $0xFFFFFFFF  }
0xb6: {  	_ =	strace $0x9000004E  }
0xb7: {  	_ =	sfence  }
0xb8: {  	s30 =	sld [smem:$0x0];
	_ =	sdelay $0x2  }
0xb9: {  	s31 =	sshll.u32 s1, $0xD;
	s1 =	sshrl.u32 s1, $0x2  }
0xba: {  	s3 =	sand.u32 $0x4000, s31;
	s1 =	sadd.s32 s1, s30  }
0xbb: {  	s0 =	sor.u32 s3, s0;
	s1 =	sshll.u32 s1, $0x11  }
0xbc: {  	s0 =	sor.u32 s1, s0  }
0xbd: {  	s0 =	sadd.s32 $0x8F2B, s0  }
0xbe: {  	[sflag:s0] =	ssyncadd.remote.s32 $0x1  }
0xbf: {  	_ =	sfence.sel $0xFFFF  }
0xc0: {  	[dreg:$0x0] =	wrdreg $0xFFFFFFFF;
	(pc) =	sbr.abs _section_cstart, $3  }
0xc1: {  	[dreg:$0x1] =	wrdreg $0xFFFFFFFF  }
0xc2: {  	_ =	task.clear_ibuf [dreg:s7], $0x2FFFF;
	_ =	strace $0x9FFFFFFF  }
0xc3: {  	(tm) =	ssettm $0x7FFFFFFF  }
tec
execute0_lowered:
.L_overlay_start_1:
0x0: {  	(tag) =	ssettag $0x1  }
0x1: {  	s6 =	rddreg [dreg:$0x0]  }
0x2: {  	s10 =	rddreg [dreg:$0x1]  }
0x3: {  	s1 =	rddreg [dreg:$0x2];
	s2 =	srdreg.scid  }
0x4: {  	s0 =	rddreg [dreg:$0x3];
	s3 =	simm.s32 $0x0;
	s15 =	simm.s32 $0x1400  }
0x5: {  	s16 =	simm.s32 $0x80;
	s17 =	simm.s32 $0x2800;
	s18 =	simm.s32 $0x6800  }
0x6: {  	s19 =	simm.s32 $0x1;
	s20 =	simm.s32 $0x2;
	s21 =	simm.s32 $0x0  }
0x7: {  	s5 =	sand.u32 $0x1, s2;
	s2 =	stileid.u32;
	[smem:$0x7FF] =	sst s3  }
0x8: {  	s4 =	sadd.s32 $0x5FC00, s6;
	s9 =	sadd.s32 $0x3400, s6;
	s7 =	smul.u32 $0x13C000, s5  }
0x9: {  	s8 =	smul.u32 $0x13C00, s2;
	_ =	strace $0x8000004D;
	s23 =	sshll.u32 s5, $0x4  }
0xa: {  	s11 =	ssub.s32 $0x2, s5;
	s25 =	smul.u32 $0x4F000, s2;
	s5 =	sadd.s32 $0xE400, s6  }
0xb: {  	s28 =	sshll.u32 s2, $0x6;
	s24 =	sor.u32 s2, s23;
	s12 =	sshrl.u32 s11, $0x1  }
0xc: {  	s7 =	sadd.s32 s8, s7;
	s13 =	smul.u32 $0x2800, s24;
	s26 =	sshrl.u32 s25, $0x2  }
0xd: {  	s12 =	ssub.s32 s11, s12;
	s7 =	sshrl.u32 s7, $0x3;
	s30 =	sadd.s32 s26, s1  }
0xe: {  	s12 =	smax.u32 s12, $0x1;
	s14 =	sadd.s32 s7, s6;
	s29 =	sshrl.u32 s13, $0x3  }
0xf: {  	s6 =	sor.u32 $0x1C03, s28;
	s13 =	sshrl.u32 s30, $0x3;
	s31 =	sadd.s32 $0x280, s29  }
0x10: {  	s7 =	sadd.s32 s9, s29;
	s8 =	sadd.s32 s10, s29;
	s11 =	sadd.s32 $0x87400, s14  }
0x11: {  	s14 =	simm.s32 $0x3;
	s9 =	sadd.s32 s9, s31;
	s10 =	sadd.s32 s10, s31  }
.LBB2_1:
0x12: {  	[spmem:s13], [sflag:s6] =	dma.local [hbm:s5], $0x2780  }
0x13: {  	_ =	swait.ge [sflag:s14], $0x2780  }
0x14: {  	[sflag:s14] =	ssyncset.done $0x0  }
0x15: {  	[sflag:s14] =	ssyncadd.s32 $0xFFFFD880  }
0x16: {  	[bflag:$0x0] =	sbarrier.arrive $0xFFFF  }
0x17: {  	[tilespmem:s3], [sflag:$0x3] =	stream.linear.gather [hbm4b:s7+s3], $0x1400, $0x38;
	[tilespmem:$0x1E400] =	vst v63  }
0x18: {  	_ =	swait.ge [sflag:s14], $0x1400  }
0x19: {  	[sflag:s14] =	ssyncset.done $0x0  }
0x1a: {  	[sflag:s14] =	ssyncadd.s32 $0xFFFFEC00  }
0x1b: {  	[tilespmem:s15], [sflag:$0x3] =	stream.linear.gather [hbm4b:s8+s3], $0x1400, $0x38;
	[tilespmem:$0x1E400] =	vst v63  }
0x1c: {  	_ =	swait.ge [sflag:s14], $0x1400  }
0x1d: {  	[sflag:s14] =	ssyncset.done $0x0  }
0x1e: {  	s22 =	simm.s32 $0x0;
	[sflag:s14] =	ssyncadd.s32 $0xFFFFEC00  }
0x1f: {  	[tilespmem:s17], [sflag:$0x1] =	stream.indirect.gather [hbm4b:s4+s16], $0x80, s22, s16, $0xb8;
	[tilespmem:$0x1E400] =	vst v63  }
0x20: {  	s29 =	simm.s32 $0x80  }
0x21: {  	[tilespmem:s18], [sflag:$0x2] =	stream.indirect.gather [hbm4b:s4+s16], $0x80, s29, s16, $0xb8;
	[tilespmem:$0x1E400] =	vst v63  }
0x22: {  	_ =	swait.ge [sflag:s19], $0x4000  }
0x23: {  	[sflag:s19] =	ssyncset.done $0x0  }
0x24: {  	s30 =	simm.s32 $0x1400;
	[sflag:s19] =	ssyncadd.s32 $0xFFFFC000  }
0x25: {  	[spmem:s1] =	stream.indirect.scatter.add.f32 [tilespmem:s17], [sflag:$0x3], $0x80, s30, s16, $0xb8;
	[tilespmem:$0x1E400] =	vst v63  }
0x26: {  	_ =	swait.ge [sflag:s14], $0x4000  }
0x27: {  	[sflag:s14] =	ssyncset.done $0x0  }
0x28: {  	[sflag:s14] =	ssyncadd.s32 $0xFFFFC000  }
0x29: {  	_ =	swait.ge [sflag:s20], $0x4000  }
0x2a: {  	[sflag:s20] =	ssyncset.done $0x0  }
0x2b: {  	s31 =	simm.s32 $0x1480;
	[sflag:s20] =	ssyncadd.s32 $0xFFFFC000  }
0x2c: {  	[spmem:s1] =	stream.indirect.scatter.add.f32 [tilespmem:s18], [sflag:$0x3], $0x80, s31, s16, $0xb8;
	[tilespmem:$0x1E400] =	vst v63  }
0x2d: {  	_ =	swait.ge [sflag:s14], $0x4000  }
0x2e: {  	s23 =	simm.s32 $0x800;
	s22 =	simm.s32 $0x400;
	[sflag:s14] =	ssyncset.done $0x0  }
.LBB2_2:
0x2f: {  	s24 =	sshra.s32 s22, $0x2  }
0x30: {  	[sflag:s14] =	ssyncadd.s32 $0xFFFFC000;
	s22 =	smov.u32 s23;
	s25 =	sadd.s32 $0x400, s23  }
0x31: {  	[tilespmem:s17], [sflag:$0x1] =	stream.indirect.gather [hbm4b:s4+s16], $0x80, s24, s16, $0xb8;
	[tilespmem:$0x1E400] =	vst v63  }
0x32: {  	p0 =	sne.s32 s23, $0x4C00;
	s23 =	sadd.s32 $0x80, s24  }
0x33: {  	[tilespmem:s18], [sflag:$0x2] =	stream.indirect.gather [hbm4b:s4+s16], $0x80, s23, s16, $0xb8;
	[tilespmem:$0x1E400] =	vst v63  }
0x34: {  	_ =	swait.ge [sflag:s19], $0x4000  }
0x35: {  	[sflag:s19] =	ssyncset.done $0x0  }
0x36: {  	s23 =	sadd.s32 $0x1400, s24;
	[sflag:s19] =	ssyncadd.s32 $0xFFFFC000  }
0x37: {  	[spmem:s1] =	stream.indirect.scatter.add.f32 [tilespmem:s17], [sflag:$0x3], $0x80, s23, s16, $0xb8;
	[tilespmem:$0x1E400] =	vst v63  }
0x38: {  	_ =	swait.ge [sflag:s14], $0x4000  }
0x39: {  	[sflag:s14] =	ssyncset.done $0x0  }
0x3a: {  	[sflag:s14] =	ssyncadd.s32 $0xFFFFC000  }
0x3b: {  	_ =	swait.ge [sflag:s20], $0x4000  }
.Ltmp0:
0x3c: {  	[sflag:s20] =	ssyncset.done $0x0;
	(pc) =	sbr.rel @p0 .LBB2_2-.Ltmp0, $4  }
0x3d: {  	s23 =	sadd.s32 $0x1480, s24;
	[sflag:s20] =	ssyncadd.s32 $0xFFFFC000  }
0x3e: {  	[spmem:s1] =	stream.indirect.scatter.add.f32 [tilespmem:s18], [sflag:$0x3], $0x80, s23, s16, $0xb8;
	[tilespmem:$0x1E400] =	vst v63  }
0x3f: {  	_ =	swait.ge [sflag:s14], $0x4000  }
0x40: {  	s23 =	smov.u32 s25;
	[sflag:s14] =	ssyncset.done $0x0  }
0x41: {  	s22 =	sshra.s32 s22, $0x2;
	[sflag:s14] =	ssyncadd.s32 $0xFFFFC000  }
0x42: {  	[tilespmem:s17], [sflag:$0x1] =	stream.indirect.gather [hbm4b:s4+s16], $0x80, s22, s16, $0xb8;
	[tilespmem:$0x1E400] =	vst v63  }
0x43: {  	s23 =	sadd.s32 $0x80, s22  }
0x44: {  	[tilespmem:s18], [sflag:$0x2] =	stream.indirect.gather [hbm4b:s4+s16], $0x80, s23, s16, $0xb8;
	[tilespmem:$0x1E400] =	vst v63  }
0x45: {  	_ =	swait.ge [sflag:s19], $0x4000  }
0x46: {  	[sflag:s19] =	ssyncset.done $0x0  }
0x47: {  	s25 =	sadd.s32 $0x1400, s22;
	[sflag:s19] =	ssyncadd.s32 $0xFFFFC000  }
0x48: {  	[spmem:s1] =	stream.indirect.scatter.add.f32 [tilespmem:s17], [sflag:$0x3], $0x80, s25, s16, $0xb8;
	[tilespmem:$0x1E400] =	vst v63  }
0x49: {  	_ =	swait.ge [sflag:s14], $0x4000  }
0x4a: {  	[sflag:s14] =	ssyncset.done $0x0  }
0x4b: {  	[sflag:s14] =	ssyncadd.s32 $0xFFFFC000  }
0x4c: {  	_ =	swait.ge [sflag:s20], $0x4000  }
0x4d: {  	[sflag:s20] =	ssyncset.done $0x0  }
0x4e: {  	s22 =	sadd.s32 $0x1480, s22;
	[sflag:s20] =	ssyncadd.s32 $0xFFFFC000  }
0x4f: {  	[spmem:s1] =	stream.indirect.scatter.add.f32 [tilespmem:s18], [sflag:$0x3], $0x80, s22, s16, $0xb8;
	[tilespmem:$0x1E400] =	vst v63  }
0x50: {  	_ =	swait.ge [sflag:s14], $0x4000  }
0x51: {  	[sflag:s14] =	ssyncset.done $0x0  }
0x52: {  	s26 =	simm.s32 $0x0;
	[sflag:s14] =	ssyncadd.s32 $0xFFFFC000  }
0x53: {  	[tilespmem:s26], [sflag:$0x3] =	stream.linear.gather [hbm4b:s9+s26], $0x1400, $0x38;
	[tilespmem:$0x1E400] =	vst v63  }
0x54: {  	_ =	swait.ge [sflag:s14], $0x1400  }
0x55: {  	[sflag:s14] =	ssyncset.done $0x0  }
0x56: {  	[sflag:s14] =	ssyncadd.s32 $0xFFFFEC00  }
0x57: {  	[tilespmem:s15], [sflag:$0x3] =	stream.linear.gather [hbm4b:s10+s26], $0x1400, $0x38;
	[tilespmem:$0x1E400] =	vst v63  }
0x58: {  	_ =	swait.ge [sflag:s14], $0x1400  }
0x59: {  	[sflag:s14] =	ssyncset.done $0x0  }
0x5a: {  	s28 =	simm.s32 $0x0;
	[sflag:s14] =	ssyncadd.s32 $0xFFFFEC00  }
0x5b: {  	[tilespmem:s17], [sflag:$0x1] =	stream.indirect.gather [hbm4b:s4+s16], $0x80, s28, s16, $0xb8;
	[tilespmem:$0x1E400] =	vst v63  }
0x5c: {  	s29 =	simm.s32 $0x80  }
0x5d: {  	[tilespmem:s18], [sflag:$0x2] =	stream.indirect.gather [hbm4b:s4+s16], $0x80, s29, s16, $0xb8;
	[tilespmem:$0x1E400] =	vst v63  }
0x5e: {  	_ =	swait.ge [sflag:s19], $0x4000  }
0x5f: {  	[sflag:s19] =	ssyncset.done $0x0  }
0x60: {  	s30 =	simm.s32 $0x1400;
	[sflag:s19] =	ssyncadd.s32 $0xFFFFC000  }
0x61: {  	[spmem:s1] =	stream.indirect.scatter.add.f32 [tilespmem:s17], [sflag:$0x3], $0x80, s30, s16, $0xb8;
	[tilespmem:$0x1E400] =	vst v63  }
0x62: {  	_ =	swait.ge [sflag:s14], $0x4000  }
0x63: {  	[sflag:s14] =	ssyncset.done $0x0  }
0x64: {  	[sflag:s14] =	ssyncadd.s32 $0xFFFFC000  }
0x65: {  	_ =	swait.ge [sflag:s20], $0x4000  }
0x66: {  	[sflag:s20] =	ssyncset.done $0x0  }
0x67: {  	s31 =	simm.s32 $0x1480;
	[sflag:s20] =	ssyncadd.s32 $0xFFFFC000  }
0x68: {  	[spmem:s1] =	stream.indirect.scatter.add.f32 [tilespmem:s18], [sflag:$0x3], $0x80, s31, s16, $0xb8;
	[tilespmem:$0x1E400] =	vst v63  }
0x69: {  	_ =	swait.ge [sflag:s14], $0x4000  }
0x6a: {  	s23 =	simm.s32 $0x800;
	s22 =	simm.s32 $0x400;
	[sflag:s14] =	ssyncset.done $0x0  }
.LBB2_4:
0x6b: {  	s24 =	sshra.s32 s22, $0x2  }
0x6c: {  	[sflag:s14] =	ssyncadd.s32 $0xFFFFC000;
	s22 =	smov.u32 s23;
	s25 =	sadd.s32 $0x400, s23  }
0x6d: {  	[tilespmem:s17], [sflag:$0x1] =	stream.indirect.gather [hbm4b:s4+s16], $0x80, s24, s16, $0xb8;
	[tilespmem:$0x1E400] =	vst v63  }
0x6e: {  	p0 =	sne.s32 s23, $0x4C00;
	s23 =	sadd.s32 $0x80, s24  }
0x6f: {  	[tilespmem:s18], [sflag:$0x2] =	stream.indirect.gather [hbm4b:s4+s16], $0x80, s23, s16, $0xb8;
	[tilespmem:$0x1E400] =	vst v63  }
0x70: {  	_ =	swait.ge [sflag:s19], $0x4000  }
0x71: {  	[sflag:s19] =	ssyncset.done $0x0  }
0x72: {  	s23 =	sadd.s32 $0x1400, s24;
	[sflag:s19] =	ssyncadd.s32 $0xFFFFC000  }
0x73: {  	[spmem:s1] =	stream.indirect.scatter.add.f32 [tilespmem:s17], [sflag:$0x3], $0x80, s23, s16, $0xb8;
	[tilespmem:$0x1E400] =	vst v63  }
0x74: {  	_ =	swait.ge [sflag:s14], $0x4000  }
0x75: {  	[sflag:s14] =	ssyncset.done $0x0  }
0x76: {  	[sflag:s14] =	ssyncadd.s32 $0xFFFFC000  }
0x77: {  	_ =	swait.ge [sflag:s20], $0x4000  }
.Ltmp1:
0x78: {  	[sflag:s20] =	ssyncset.done $0x0;
	(pc) =	sbr.rel @p0 .LBB2_4-.Ltmp1, $4  }
0x79: {  	s23 =	sadd.s32 $0x1480, s24;
	[sflag:s20] =	ssyncadd.s32 $0xFFFFC000  }
0x7a: {  	[spmem:s1] =	stream.indirect.scatter.add.f32 [tilespmem:s18], [sflag:$0x3], $0x80, s23, s16, $0xb8;
	[tilespmem:$0x1E400] =	vst v63  }
0x7b: {  	_ =	swait.ge [sflag:s14], $0x4000  }
0x7c: {  	s23 =	smov.u32 s25;
	[sflag:s14] =	ssyncset.done $0x0  }
0x7d: {  	s22 =	sshra.s32 s22, $0x2;
	[sflag:s14] =	ssyncadd.s32 $0xFFFFC000  }
0x7e: {  	[tilespmem:s17], [sflag:$0x1] =	stream.indirect.gather [hbm4b:s4+s16], $0x80, s22, s16, $0xb8;
	[tilespmem:$0x1E400] =	vst v63  }
0x7f: {  	s23 =	sadd.s32 $0x80, s22  }
0x80: {  	[tilespmem:s18], [sflag:$0x2] =	stream.indirect.gather [hbm4b:s4+s16], $0x80, s23, s16, $0xb8;
	[tilespmem:$0x1E400] =	vst v63  }
0x81: {  	_ =	swait.ge [sflag:s19], $0x4000  }
0x82: {  	[sflag:s19] =	ssyncset.done $0x0  }
0x83: {  	s31 =	sadd.s32 $0x1400, s22;
	[sflag:s19] =	ssyncadd.s32 $0xFFFFC000  }
0x84: {  	[spmem:s1] =	stream.indirect.scatter.add.f32 [tilespmem:s17], [sflag:$0x3], $0x80, s31, s16, $0xb8;
	[tilespmem:$0x1E400] =	vst v63  }
0x85: {  	_ =	swait.ge [sflag:s14], $0x4000  }
0x86: {  	[sflag:s14] =	ssyncset.done $0x0  }
0x87: {  	[sflag:s14] =	ssyncadd.s32 $0xFFFFC000  }
0x88: {  	_ =	swait.ge [sflag:s20], $0x4000  }
0x89: {  	[sflag:s20] =	ssyncset.done $0x0  }
0x8a: {  	s22 =	sadd.s32 $0x1480, s22;
	[sflag:s20] =	ssyncadd.s32 $0xFFFFC000  }
0x8b: {  	[spmem:s1] =	stream.indirect.scatter.add.f32 [tilespmem:s18], [sflag:$0x3], $0x80, s22, s16, $0xb8;
	[tilespmem:$0x1E400] =	vst v63  }
0x8c: {  	_ =	swait.ge [sflag:s14], $0x4000  }
0x8d: {  	s21 =	sadd.s32 $0x1, s21;
	[sflag:s14] =	ssyncset.done $0x0  }
0x8e: {  	p0 =	sne.s32 s21, s12;
	[sflag:s14] =	ssyncadd.s32 $0xFFFFC000  }
.Ltmp2:
0x8f: {  	[bflag:$0x0] =	sbarrier.arrive $0xFFFF;
	(pc) =	sbr.rel @p0 .LBB2_1-.Ltmp2, $4  }
0x90: {  	[hbm:s11], [sflag:s6] =	dma.local [spmem:s13], $0x2780  }
0x91: {  	_ =	swait.ge [sflag:s14], $0x2780  }
0x92: {  	[sflag:s14] =	ssyncset.done $0x0  }
0x93: {  	[sflag:s14] =	ssyncadd.s32 $0xFFFFD880  }
0x94: {  	_ =	sfence.sel $0x180000  }
0x95: {  	[bflag:$0x0] =	sbarrier.arrive $0xFFFF  }
0x96: {  	p0 =	sne.s32 s2, $0x0;
	_ =	strace $0x9000004D  }
0x97: {  	s0 =	sadd.s32 @!p0 $0x100000, s0;
	[bflag:$0x2] =	sbarrier.arrive $0xFFFF  }
0x98: {  	[sflag:s0] =	ssyncadd.tile.s32 @!p0 $0x1;
	_ =	shalt  }
.Lfunc_end2:
_tile_overlayer_lowered:
.L_overlay_start_2:
0x99: {  	(tag) =	ssettag $0x2  }
0x9a: {  	s0 =	rddreg [dreg:$0x0];
	s2 =	stileid.u32  }
0x9b: {  	s1 =	rddreg [dreg:$0x1];
	p0 =	sne.s32 s2, $0x0  }
0x9c: {  	s3 =	rddreg [dreg:$0x2];
	[bflag:$0x3] =	sbarrier.arrive $0xFFFF;
	s2 =	simm.s32 @!p0 $0x1C03  }
0x9d: {  	[timem:s3], [sflag:s2] =	dma.local @!p0 [hbm:s0], s1  }
0x9e: {  	s0 =	simm.s32 @!p0 $0x3  }
0x9f: {  	_ =	swait.ge @!p0 [sflag:s0], s1  }
0xa0: {  	s1 =	ssub.s32 @!p0 $0x0, s1;
	[sflag:s0] =	ssyncset.done @!p0 $0x0  }
0xa1: {  	[sflag:s0] =	ssyncadd.s32 @!p0 s1  }
0xa2: {  	[bflag:$0x3] =	sbarrier.arrive $0xFFFF  }
0xa3: {  	_ =	shalt  }

// kernel: kernel.8.cloned.1.call-start
scs
__scs_entry_jumppad:
0x0: {  	(pc) =	sbr.rel $0x88, $3  }
0x1: {  	(tag) =	ssettag $0x0;
	lr =	simm.s32 $0x1  }
0x2: {  	[smem:$0x3F95] =	sst lr;
	_ =	strace $0xD0000000  }
0x3: {  	_ = 	snop  }
0x4: {  	_ = 	snop  }
0x5: {  	_ = 	snop  }
0x6: {  	_ = 	snop  }
0x7: {  	_ = 	snop  }
__scs_overlays_trampoline_lowered:
0x8: {  	[smem:$0x3FA4] =	sst s0  }
0x9: {  	[smem:$0x3FA5] =	sst s1  }
0xa: {  	[smem:$0x3FA6] =	sst s2  }
0xb: {  	[smem:$0x3FA7] =	sst s3  }
0xc: {  	[smem:$0x3FA8] =	sst s4  }
0xd: {  	[smem:$0x3FA9] =	sst s5  }
0xe: {  	[smem:$0x3FAA] =	sst s6  }
0xf: {  	[smem:$0x3FAB] =	sst s7  }
0x10: {  	[smem:$0x3FAC] =	sst s8  }
0x11: {  	[smem:$0x3FAD] =	sst s9;
	s0 =	simm.s32 @!p0 $0x0  }
0x12: {  	s1 =	sld [smem:$0x3F93];
	s0 =	simm.s32 @p0 $0x1  }
0x13: {  	[smem:$0x3FAE] =	sst s0;
	s0 =	simm.s32 @!p1 $0x0  }
0x14: {  	s2 =	sld [smem:$0x3F92];
	s0 =	simm.s32 @p1 $0x1  }
0x15: {  	[smem:$0x3FAF] =	sst s0;
	s0 =	simm.s32 @!p2 $0x0  }
0x16: {  	s3 =	sld [smem:$0x3FDB];
	s0 =	simm.s32 @p2 $0x1  }
0x17: {  	s4 =	simm.s32 $0x1BF5;
	[smem:$0x3FB1] =	sst s0  }
0x18: {  	s0 =	sld [smem:$0x3F94];
	_ =	swait.ge [sflag:s4], $0x0  }
0x19: {  	s7 =	sld [smem:$0x3F95]  }
0x1a: {  	s8 =	sadd.s32 $0xFFFFE003, lr  }
0x1b: {  	s9 =	sadd.s32 $0xFFFFFEF7, lr;
	s5 =	simm.s32 $0xFFFFFFFF;
	p2 =	slt.u32 s8, $0xFFFFF086  }
0x1c: {  	p1 =	slt.u32 s9, $0xF7A;
	s5 =	simm.s32 @!p2 $0x0  }
0x1d: {  	s5 =	simm.s32 @p1 $0x1;
	p0 =	seq.s32 s7, s2  }
0x1e: {  	s7 =	smul.u32 @!p0 $0xF7A, s2;
	p2 =	seq.s32 @!p0 s5, $0x0  }
0x1f: {  	s9 =	smul.u32 $0xF7A, s1;
	s8 =	simm.s32 @!p0 $0x1BF5;
	p2 =	por !p2, p0  }
0x20: {  	[sflag:s8] =	ssyncset.s32 @!p0 $0xFFFFF086;
	s6 =	sadd.s32 @!p0 s3, s7;
	s7 =	simm.s32 @!p0 $0x108  }
0x21: {  	s3 =	sadd.s32 s3, s9;
	s6 =	sadd.s32 @!p0 $0x88, s6;
	s7 =	simm.s32 @p2 $0x1082  }
0x22: {  	[simem:s7], [sflag:s8] =	dma.local @!p0 [hbm:s6], $0xF7A  }
0x23: {  	s9 =	sor.u32 $0xD0000000, s2;
	s6 =	simm.s32 $0x108;
	_ =	swait.ge @!p0 [sflag:s8], $0x0  }
0x24: {  	s3 =	sadd.s32 $0x88, s3;
	s6 =	simm.s32 @!p1 $0x1082;
	[sflag:s4] =	ssyncset.s32 $0xFFFFF086  }
0x25: {  	[simem:s6], [sflag:s4] =	dma.local [hbm:s3], $0xF7A  }
0x26: {  	[smem:$0x3F95] =	sst s1;
	(tag) =	ssettag s2;
	_ =	strace s9  }
0x27: {  	s1 =	sld [smem:$0x3FA5]  }
0x28: {  	s2 =	sld [smem:$0x3FA6]  }
0x29: {  	s4 =	sld [smem:$0x3FA8]  }
0x2a: {  	p0 =	seq.s32 s5, $0x0;
	s5 =	sld [smem:$0x3FA9]  }
0x2b: {  	s6 =	sld [smem:$0x3FAA]  }
0x2c: {  	s7 =	sld [smem:$0x3FAB]  }
0x2d: {  	s3 =	simm.s32 $0x108;
	s8 =	sld [smem:$0x3FAC]  }
0x2e: {  	s3 =	simm.s32 @!p0 $0x1082;
	s9 =	sld [smem:$0x3FAD]  }
0x2f: {  	lr =	sadd.s32 s0, s3;
	s0 =	sld [smem:$0x3FA4]  }
0x30: {  	s3 =	sld [smem:$0x3FA7]  }
0x31: {  	[smem:$0x3FB0] =	sst s10  }
0x32: {  	s10 =	sld [smem:$0x3FAE];
	_ =	sdelay $0x3  }
0x33: {  	p0 =	seq.s32 s10, $0x1;
	s10 =	sld [smem:$0x3FB0];
	_ =	sdelay $0x3  }
0x34: {  	[smem:$0x3FB0] =	sst s10  }
0x35: {  	s10 =	sld [smem:$0x3FAF];
	_ =	sdelay $0x3  }
0x36: {  	p1 =	seq.s32 s10, $0x1;
	s10 =	sld [smem:$0x3FB0];
	_ =	sdelay $0x3  }
0x37: {  	[smem:$0x3FB0] =	sst s10  }
0x38: {  	s10 =	sld [smem:$0x3FB1]  }
0x39: {  	_ = 	snop;
	(pc) =	sbr.ind lr, $3  }
0x3a: {  	_ = 	snop  }
0x3b: {  	_ = 	snop  }
0x3c: {  	p2 =	seq.s32 s10, $0x1;
	s10 =	sld [smem:$0x3FB0]  }
0x3d: {  	_ =	shalt  }
0x3e: {  	_ =	shalt  }
0x3f: {  	_ =	shalt  }
0x40: {  	_ =	shalt  }
0x41: {  	_ =	shalt  }
0x42: {  	_ =	shalt  }
0x43: {  	_ =	shalt  }
0x44: {  	_ =	shalt  }
0x45: {  	_ =	shalt  }
0x46: {  	_ =	shalt  }
0x47: {  	_ =	shalt  }
0x48: {  	_ =	shalt  }
0x49: {  	_ =	shalt  }
0x4a: {  	_ =	shalt  }
0x4b: {  	_ =	shalt  }
0x4c: {  	_ =	shalt  }
0x4d: {  	_ =	shalt  }
0x4e: {  	_ =	shalt  }
0x4f: {  	_ =	shalt  }
0x50: {  	_ =	shalt  }
0x51: {  	_ =	shalt  }
0x52: {  	_ =	shalt  }
0x53: {  	_ =	shalt  }
0x54: {  	_ =	shalt  }
0x55: {  	_ =	shalt  }
0x56: {  	_ =	shalt  }
0x57: {  	_ =	shalt  }
0x58: {  	_ =	shalt  }
0x59: {  	_ =	shalt  }
0x5a: {  	_ =	shalt  }
0x5b: {  	_ =	shalt  }
0x5c: {  	_ =	shalt  }
0x5d: {  	_ =	shalt  }
0x5e: {  	_ =	shalt  }
0x5f: {  	_ =	shalt  }
0x60: {  	_ =	shalt  }
0x61: {  	_ =	shalt  }
0x62: {  	_ =	shalt  }
0x63: {  	_ =	shalt  }
0x64: {  	_ =	shalt  }
0x65: {  	_ =	shalt  }
0x66: {  	_ =	shalt  }
0x67: {  	_ =	shalt  }
0x68: {  	_ =	shalt  }
0x69: {  	_ =	shalt  }
0x6a: {  	_ =	shalt  }
0x6b: {  	_ =	shalt  }
0x6c: {  	_ =	shalt  }
0x6d: {  	_ =	shalt  }
0x6e: {  	_ =	shalt  }
0x6f: {  	_ =	shalt  }
0x70: {  	_ =	shalt  }
0x71: {  	_ =	shalt  }
0x72: {  	_ =	shalt  }
0x73: {  	_ =	shalt  }
0x74: {  	_ =	shalt  }
0x75: {  	_ =	shalt  }
0x76: {  	_ =	shalt  }
0x77: {  	_ =	shalt  }
0x78: {  	_ =	shalt  }
0x79: {  	_ =	shalt  }
0x7a: {  	_ =	shalt  }
0x7b: {  	_ =	shalt  }
0x7c: {  	_ =	shalt  }
0x7d: {  	_ =	shalt  }
0x7e: {  	_ =	shalt  }
0x7f: {  	_ =	shalt  }
0x80: {  	_ =	shalt  }
0x81: {  	_ =	shalt  }
0x82: {  	_ =	shalt  }
0x83: {  	_ =	shalt  }
0x84: {  	_ =	shalt  }
0x85: {  	_ =	shalt  }
0x86: {  	_ =	shalt  }
0x87: {  	_ =	shalt  }
.Lfunc_end0:
.L_simem_size_0:
called_computation_lowered:
.L_overlay_start_0:
0x88: {  	s2 =	sld [smem:$0x3FD9]  }
0x89: {  	s3 =	sld [smem:$0x3FFE];
	_ =	sdelay $0x1  }
0x8a: {  	s1 =	srdreg.scid  }
0x8b: {  	s0 =	sand.u32 $0x1, s1  }
0x8c: {  	s17 =	sshll.u32 s0, $0xA;
	s2 =	sadd.s32 s3, s2  }
0x8d: {  	s2 =	sadd.s32 s2, s17  }
0x8e: {  	[smem:$0x3FBC] =	sst s2  }
0x8f: {  	_ = 	snop  }
0x90: {  	s2 =	sld [smem:$0x3FD0];
	(tm) =	ssettm $0x1  }
0x91: {  	s18 =	sld [smem:$0x3FFB];
	_ =	sdelay $0x3  }
0x92: {  	_ =	strace s18  }
0x93: {  	s3 =	sld [smem:$0x3FFC];
	_ =	sdelay $0x3  }
0x94: {  	_ =	strace s3  }
0x95: {  	s3 =	sld [smem:$0x3FFD];
	_ =	sdelay $0x3  }
0x96: {  	_ =	strace s3  }
0x97: {  	_ =	strace $0x8FFFFFFF  }
0x98: {  	s19 =	sld [smem:$0x3FDB];
	_ =	sdelay $0x1  }
0x99: {  	s4 =	simm.s32 $_scs_section_size  }
0x9a: {  	s5 =	simm.s32 $_size__tile_overlayer_lowered;
	s6 =	simm.s32 $_tile_overlayer_lowered  }
0x9b: {  	s22 =	simm.s32 $0x1BFF;
	s21 =	sshll.u32 s6, $0x1;
	s3 =	sadd.s32 s4, s19  }
0x9c: {  	s7 =	simm.s32 $0x0;
	s20 =	sshll.u32 s5, $0x1;
	s5 =	sadd.s32 s21, s3  }
0x9d: {  	[timem:s7], [sflag:s22] =	dma.local [hbm:s5], s20  }
0x9e: {  	_ =	swait.ge [sflag:s22], s20  }
0x9f: {  	s4 =	ssub.s32 $0x0, s20;
	[sflag:s22] =	ssyncset.done $0x0  }
0xa0: {  	[sflag:s22] =	ssyncadd.s32 s4;
	_ =	sdelay $0x1  }
0xa1: {  	s23 =	simm.s32 $0x1B8B  }
0xa2: {  	_ =	swait.ge [sflag:s23], $0x1  }
0xa3: {  	[sflag:s23] =	ssyncset.done $0x0  }
0xa4: {  	s25 =	simm.s32 $0x1B8E;
	s24 =	sld [smem:$0x3FFE];
	[sflag:s23] =	ssyncadd.s32 $0xFFFFFFFF  }
0xa5: {  	s26 =	simm.s32 $execute0_lowered;
	[smem:$0x3FD2] =	sst s25  }
0xa6: {  	s5 =	sshll.u32 s26, $0x1;
	_ =	strace $0x80000046;
	[dreg:$0x1] =	wrdreg $0xFFFFFFFF  }
0xa7: {  	s28 =	simm.s32 $_size_execute0_lowered;
	s3 =	sadd.s32 s3, s5;
	[dreg:$0x0] =	wrdreg $0x0  }
0xa8: {  	s5 =	sshll.u32 s28, $0x1;
	[dreg:$0x2] =	wrdreg s3  }
0xa9: {  	[dreg:$0x3] =	wrdreg s5  }
0xaa: {  	[dreg:$0x4] =	wrdreg $0xC0  }
0xab: {  	_ =	task [dreg:s7], $0x5FFFF  }
0xac: {  	[dreg:$0x1] =	wrdreg $0xFFFFFFFF  }
0xad: {  	[dreg:$0x0] =	wrdreg $0x60  }
0xae: {  	[dreg:$0x2] =	wrdreg s24  }
0xaf: {  	[dreg:$0x3] =	wrdreg s2  }
0xb0: {  	[dreg:$0x4] =	wrdreg $0x90000  }
0xb1: {  	[dreg:$0x5] =	wrdreg $0x9  }
0xb2: {  	_ =	task.clear_ibuf [dreg:s7], $0x6FFFF;
	_ =	strace $0x90000046  }
0xb3: {  	s29 =	simm.s32 $0x9;
	_ =	strace $0x80000048  }
0xb4: {  	_ =	swait.ge [sflag:s29], $0x1  }
0xb5: {  	[sflag:s29] =	ssyncadd.s32 $0xFFFFFFFF  }
0xb6: {  	_ =	strace $0x90000048  }
0xb7: {  	_ =	sfence  }
0xb8: {  	s30 =	sld [smem:$0x0];
	_ =	sdelay $0x2  }
0xb9: {  	s31 =	sshll.u32 s1, $0xD;
	s1 =	sshrl.u32 s1, $0x2  }
0xba: {  	s3 =	sand.u32 $0x4000, s31;
	s1 =	sadd.s32 s1, s30  }
0xbb: {  	s0 =	sor.u32 s3, s0;
	s1 =	sshll.u32 s1, $0x11  }
0xbc: {  	s0 =	sor.u32 s1, s0  }
0xbd: {  	s0 =	sadd.s32 $0x8F2B, s0  }
0xbe: {  	[sflag:s0] =	ssyncadd.remote.s32 $0x1  }
0xbf: {  	_ =	sfence.sel $0xFFFF  }
0xc0: {  	[dreg:$0x0] =	wrdreg $0xFFFFFFFF;
	(pc) =	sbr.abs _section_cstart, $3  }
0xc1: {  	[dreg:$0x1] =	wrdreg $0xFFFFFFFF  }
0xc2: {  	_ =	task.clear_ibuf [dreg:s7], $0x2FFFF;
	_ =	strace $0x9FFFFFFF  }
0xc3: {  	(tm) =	ssettm $0x7FFFFFFF  }
tec
execute0_lowered:
.L_overlay_start_1:
0x0: {  	(tag) =	ssettag $0x1  }
0x1: {  	s8 =	rddreg [dreg:$0x0]  }
0x2: {  	s0 =	srdreg.scid;
	s9 =	rddreg [dreg:$0x1]  }
0x3: {  	s2 =	rddreg [dreg:$0x2];
	s3 =	simm.s32 $0x0;
	s16 =	simm.s32 $0x80  }
0x4: {  	s17 =	simm.s32 $0x1;
	s18 =	simm.s32 $0x2;
	s7 =	sand.u32 $0x1, s0  }
0x5: {  	s19 =	simm.s32 $0x0;
	s0 =	stileid.u32;
	s5 =	smul.u32 $0x13C000, s7  }
0x6: {  	[smem:$0x7FF] =	sst s3;
	s4 =	sadd.s32 $0xD400, s8;
	s6 =	smul.u32 $0x13C00, s0  }
0x7: {  	s1 =	sshll.u32 s7, $0x4;
	s13 =	smul.u32 $0x4F000, s0;
	s7 =	ssub.s32 $0x2, s7  }
0x8: {  	s14 =	sshll.u32 s0, $0x6;
	s1 =	sor.u32 s0, s1;
	s31 =	sshrl.u32 s7, $0x1  }
0x9: {  	s10 =	smul.u32 $0x500, s1;
	s1 =	rddreg [dreg:$0x3];
	_ =	strace $0x80000047  }
0xa: {  	s6 =	sadd.s32 s6, s5;
	s5 =	sadd.s32 $0xDC00, s8;
	s13 =	sshrl.u32 s13, $0x2  }
0xb: {  	s15 =	ssub.s32 s7, s31;
	s7 =	sor.u32 $0x1C03, s14;
	s14 =	simm.s32 $0x2800  }
0xc: {  	s12 =	sshrl.u32 s6, $0x3;
	s6 =	sadd.s32 $0xE400, s8;
	s13 =	sadd.s32 s13, s2  }
0xd: {  	s11 =	sadd.s32 s10, s8;
	s12 =	sadd.s32 s12, s8;
	s9 =	sadd.s32 s9, s10  }
0xe: {  	s8 =	sadd.s32 $0x3400, s11;
	s10 =	sadd.s32 $0x10C00, s12;
	s11 =	smax.u32 s15, $0x1  }
0xf: {  	s12 =	sshrl.u32 s13, $0x3;
	s13 =	simm.s32 $0x3;
	s15 =	simm.s32 $0x5000  }
.LBB2_1:
0x10: {  	[spmem:s12], [sflag:s7] =	dma.local [hbm:s6], $0x2780  }
0x11: {  	_ =	swait.ge [sflag:s13], $0x2780  }
0x12: {  	[sflag:s13] =	ssyncset.done $0x0  }
0x13: {  	[sflag:s13] =	ssyncadd.s32 $0xFFFFD880  }
0x14: {  	[tilespmem:s3], [sflag:$0x3] =	stream.linear.gather [hbm4b:s8+s3], $0x2800, $0x38;
	[tilespmem:$0x1CC00] =	vst v63  }
0x15: {  	_ =	swait.ge [sflag:s13], $0x2800  }
0x16: {  	[sflag:s13] =	ssyncset.done $0x0  }
0x17: {  	[sflag:s13] =	ssyncadd.s32 $0xFFFFD800  }
0x18: {  	[tilespmem:s14], [sflag:$0x3] =	stream.linear.gather [hbm4b:s9+s3], $0x2800, $0x38;
	[tilespmem:$0x1CC00] =	vst v63  }
0x19: {  	_ =	swait.ge [sflag:s13], $0x2800  }
0x1a: {  	[sflag:s13] =	ssyncset.done $0x0  }
0x1b: {  	[sflag:s13] =	ssyncadd.s32 $0xFFFFD800  }
0x1c: {  	[tilespmem:s15], [sflag:$0x3] =	stream.linear.gather [hbm4b:s4+s3], $0x4000, $0x38;
	[tilespmem:$0x1CC00] =	vst v63  }
0x1d: {  	_ =	swait.ge [sflag:s13], $0x4000  }
0x1e: {  	[sflag:s13] =	ssyncset.done $0x0  }
0x1f: {  	[sflag:s13] =	ssyncadd.s32 $0xFFFFC000  }
0x20: {  	s20 =	simm.s32 $0x0;
	[bflag:$0x0] =	sbarrier.arrive $0xFFFF  }
0x21: {  	[spmem:s2] =	stream.indirect.scatter.add.f32 [tilespmem:s15], [sflag:$0x1], $0x80, s20, s16, $0xb8;
	[tilespmem:$0x1CC00] =	vst v63  }
0x22: {  	s31 =	simm.s32 $0x80  }
0x23: {  	[spmem:s2] =	stream.indirect.scatter.add.f32 [tilespmem:s15], [sflag:$0x2], $0x80, s31, s16, $0xb8;
	[tilespmem:$0x1CC00] =	vst v63  }
0x24: {  	_ =	swait.ge [sflag:s17], $0x4000  }
0x25: {  	[sflag:s17] =	ssyncset.done $0x0  }
0x26: {  	[sflag:s17] =	ssyncadd.s32 $0xFFFFC000  }
0x27: {  	_ =	swait.ge [sflag:s18], $0x4000  }
0x28: {  	s21 =	simm.s32 $0x800;
	s20 =	simm.s32 $0x400;
	[sflag:s18] =	ssyncset.done $0x0  }
.LBB2_2:
0x29: {  	s22 =	sshra.s32 s20, $0x2  }
0x2a: {  	[sflag:s18] =	ssyncadd.s32 $0xFFFFC000;
	s20 =	smov.u32 s21;
	s23 =	sadd.s32 $0x400, s21  }
0x2b: {  	[spmem:s2] =	stream.indirect.scatter.add.f32 [tilespmem:s15], [sflag:$0x1], $0x80, s22, s16, $0xb8;
	[tilespmem:$0x1CC00] =	vst v63  }
0x2c: {  	p0 =	sne.s32 s21, $0x9C00;
	s21 =	sadd.s32 $0x80, s22  }
0x2d: {  	[spmem:s2] =	stream.indirect.scatter.add.f32 [tilespmem:s15], [sflag:$0x2], $0x80, s21, s16, $0xb8;
	[tilespmem:$0x1CC00] =	vst v63  }
.Ltmp0:
0x2e: {  	_ =	swait.ge [sflag:s17], $0x4000;
	(pc) =	sbr.rel @p0 .LBB2_2-.Ltmp0, $4  }
0x2f: {  	[sflag:s17] =	ssyncset.done $0x0  }
0x30: {  	[sflag:s17] =	ssyncadd.s32 $0xFFFFC000  }
0x31: {  	_ =	swait.ge [sflag:s18], $0x4000  }
0x32: {  	s21 =	smov.u32 s23;
	[sflag:s18] =	ssyncset.done $0x0  }
0x33: {  	s20 =	sshra.s32 s20, $0x2;
	[sflag:s18] =	ssyncadd.s32 $0xFFFFC000  }
0x34: {  	[spmem:s2] =	stream.indirect.scatter.add.f32 [tilespmem:s15], [sflag:$0x1], $0x80, s20, s16, $0xb8;
	[tilespmem:$0x1CC00] =	vst v63  }
0x35: {  	s20 =	sadd.s32 $0x80, s20  }
0x36: {  	[spmem:s2] =	stream.indirect.scatter.add.f32 [tilespmem:s15], [sflag:$0x2], $0x80, s20, s16, $0xb8;
	[tilespmem:$0x1CC00] =	vst v63  }
0x37: {  	_ =	swait.ge [sflag:s17], $0x4000  }
0x38: {  	[sflag:s17] =	ssyncset.done $0x0  }
0x39: {  	[sflag:s17] =	ssyncadd.s32 $0xFFFFC000  }
0x3a: {  	_ =	swait.ge [sflag:s18], $0x4000  }
0x3b: {  	[sflag:s18] =	ssyncset.done $0x0  }
0x3c: {  	s29 =	simm.s32 $0x0;
	[sflag:s18] =	ssyncadd.s32 $0xFFFFC000  }
0x3d: {  	[tilespmem:s15], [sflag:$0x3] =	stream.linear.gather [hbm4b:s5+s29], $0x4000, $0x38;
	[tilespmem:$0x1CC00] =	vst v63  }
0x3e: {  	_ =	swait.ge [sflag:s13], $0x4000  }
0x3f: {  	[sflag:s13] =	ssyncset.done $0x0  }
0x40: {  	s30 =	simm.s32 $0x2800;
	[sflag:s13] =	ssyncadd.s32 $0xFFFFC000  }
0x41: {  	[spmem:s2] =	stream.indirect.scatter.add.f32 [tilespmem:s15], [sflag:$0x1], $0x80, s30, s16, $0xb8;
	[tilespmem:$0x1CC00] =	vst v63  }
0x42: {  	s31 =	simm.s32 $0x2880  }
0x43: {  	[spmem:s2] =	stream.indirect.scatter.add.f32 [tilespmem:s15], [sflag:$0x2], $0x80, s31, s16, $0xb8;
	[tilespmem:$0x1CC00] =	vst v63  }
0x44: {  	_ =	swait.ge [sflag:s17], $0x4000  }
0x45: {  	[sflag:s17] =	ssyncset.done $0x0  }
0x46: {  	[sflag:s17] =	ssyncadd.s32 $0xFFFFC000  }
0x47: {  	_ =	swait.ge [sflag:s18], $0x4000  }
0x48: {  	s21 =	simm.s32 $0x800;
	s20 =	simm.s32 $0x100;
	[sflag:s18] =	ssyncset.done $0x0  }
.LBB2_4:
0x49: {  	s22 =	sadd.s32 $0x2800, s20  }
0x4a: {  	[sflag:s18] =	ssyncadd.s32 $0xFFFFC000;
	s23 =	smov.u32 s21;
	s24 =	sadd.s32 $0x400, s21  }
0x4b: {  	[spmem:s2] =	stream.indirect.scatter.add.f32 [tilespmem:s15], [sflag:$0x1], $0x80, s22, s16, $0xb8;
	[tilespmem:$0x1CC00] =	vst v63  }
0x4c: {  	p0 =	sne.s32 s21, $0x9C00;
	s20 =	sadd.s32 $0x2880, s20  }
0x4d: {  	[spmem:s2] =	stream.indirect.scatter.add.f32 [tilespmem:s15], [sflag:$0x2], $0x80, s20, s16, $0xb8;
	[tilespmem:$0x1CC00] =	vst v63  }
.Ltmp1:
0x4e: {  	_ =	swait.ge [sflag:s17], $0x4000;
	(pc) =	sbr.rel @p0 .LBB2_4-.Ltmp1, $4  }
0x4f: {  	[sflag:s17] =	ssyncset.done $0x0  }
0x50: {  	[sflag:s17] =	ssyncadd.s32 $0xFFFFC000  }
0x51: {  	_ =	swait.ge [sflag:s18], $0x4000  }
0x52: {  	s21 =	smov.u32 s24;
	s20 =	sshra.s32 s23, $0x2;
	[sflag:s18] =	ssyncset.done $0x0  }
0x53: {  	s21 =	sadd.s32 $0x2800, s20;
	[sflag:s18] =	ssyncadd.s32 $0xFFFFC000  }
0x54: {  	[spmem:s2] =	stream.indirect.scatter.add.f32 [tilespmem:s15], [sflag:$0x1], $0x80, s21, s16, $0xb8;
	[tilespmem:$0x1CC00] =	vst v63  }
0x55: {  	s31 =	sadd.s32 $0x2880, s20  }
0x56: {  	[spmem:s2] =	stream.indirect.scatter.add.f32 [tilespmem:s15], [sflag:$0x2], $0x80, s31, s16, $0xb8;
	[tilespmem:$0x1CC00] =	vst v63  }
0x57: {  	_ =	swait.ge [sflag:s17], $0x4000  }
0x58: {  	[sflag:s17] =	ssyncset.done $0x0  }
0x59: {  	[sflag:s17] =	ssyncadd.s32 $0xFFFFC000  }
0x5a: {  	_ =	swait.ge [sflag:s18], $0x4000  }
0x5b: {  	s19 =	sadd.s32 $0x1, s19;
	[sflag:s18] =	ssyncset.done $0x0  }
0x5c: {  	p0 =	sne.s32 s19, s11;
	[sflag:s18] =	ssyncadd.s32 $0xFFFFC000  }
.Ltmp2:
0x5d: {  	[bflag:$0x0] =	sbarrier.arrive $0xFFFF;
	(pc) =	sbr.rel @p0 .LBB2_1-.Ltmp2, $4  }
0x5e: {  	[hbm:s10], [sflag:s7] =	dma.local [spmem:s12], $0x2780  }
0x5f: {  	_ =	swait.ge [sflag:s13], $0x2780  }
0x60: {  	[sflag:s13] =	ssyncset.done $0x0  }
0x61: {  	[sflag:s13] =	ssyncadd.s32 $0xFFFFD880  }
0x62: {  	_ =	sfence.sel $0x180000  }
0x63: {  	[bflag:$0x0] =	sbarrier.arrive $0xFFFF  }
0x64: {  	p0 =	sne.s32 s0, $0x0;
	_ =	strace $0x90000047  }
0x65: {  	s0 =	sadd.s32 @!p0 $0x100000, s1;
	[bflag:$0x2] =	sbarrier.arrive $0xFFFF  }
0x66: {  	[sflag:s0] =	ssyncadd.tile.s32 @!p0 $0x1;
	_ =	shalt  }
.Lfunc_end2:
_tile_overlayer_lowered:
.L_overlay_start_2:
0x67: {  	(tag) =	ssettag $0x2  }
0x68: {  	s0 =	rddreg [dreg:$0x0];
	s2 =	stileid.u32  }
0x69: {  	s1 =	rddreg [dreg:$0x1];
	p0 =	sne.s32 s2, $0x0  }
0x6a: {  	s3 =	rddreg [dreg:$0x2];
	[bflag:$0x3] =	sbarrier.arrive $0xFFFF;
	s2 =	simm.s32 @!p0 $0x1C03  }
0x6b: {  	[timem:s3], [sflag:s2] =	dma.local @!p0 [hbm:s0], s1  }
0x6c: {  	s0 =	simm.s32 @!p0 $0x3  }
0x6d: {  	_ =	swait.ge @!p0 [sflag:s0], s1  }
0x6e: {  	s1 =	ssub.s32 @!p0 $0x0, s1;
	[sflag:s0] =	ssyncset.done @!p0 $0x0  }
0x6f: {  	[sflag:s0] =	ssyncadd.s32 @!p0 s1  }
0x70: {  	[bflag:$0x3] =	sbarrier.arrive $0xFFFF  }
0x71: {  	_ =	shalt  }

</sc_bundles>
